<compile_context>
chip_gen: v7x
topology: tpu7x:2x2x1
jax: 0.10.2.dev20260603
libtpu: 0.0.44.dev20260713+nightly
codegen_flags: <defaults>
</compile_context>

<pallas_src>
import functools

import jax
import jax.numpy as jnp
from jax import lax
from jax.experimental import pallas as pl
from jax.experimental.pallas import tpu as pltpu
from jax.experimental.pallas import tpu_sc as plsc

D = 128
N_T = 3120
OFF_RANK, OFF_SUIT, OFF_STAGE, OFF_VIS, OFF_ORDER = 0, 16, 24, 32, 40
CAT_ROWS = 48


def _prep_body(card_ref, st_ref, vi_ref, od_ref, cat_ref, cidx_ref, t_ref):
    i = pl.program_id(0)
    L = card_ref.shape[0]
    bb = card_ref.shape[1] // D
    cidx = (
        card_ref[...] * 60 + st_ref[...] * 15 + vi_ref[...] * 5 + od_ref[...]
    )
    cidx_ref[...] = cidx.reshape(L, bb, D)
    @pl.when(i == 0)
    def _():
        row = lax.broadcasted_iota(jnp.int32, (N_T, 1), 0)
        card = row // 60
        svo = row - card * 60
        stage = svo // 15
        rem = svo - stage * 15
        vis = rem // 5
        order = rem - vis * 5
        cols = lax.broadcasted_iota(jnp.int32, (N_T, CAT_ROWS), 1)
        onehot = (
            (cols == OFF_RANK + card % 13).astype(jnp.float32)
            + (cols == OFF_SUIT + card // 13).astype(jnp.float32)
            + (cols == OFF_STAGE + stage).astype(jnp.float32)
            + (cols == OFF_VIS + vis).astype(jnp.float32)
            + (cols == OFF_ORDER + order).astype(jnp.float32)
        )
        t_ref[...] = jnp.dot(onehot, cat_ref[...],
                             preferred_element_type=jnp.float32,
                             precision=lax.Precision.HIGHEST)


def _prep(card, st, vi, od, cat):
    L, B = card.shape
    grid = 16
    bb = B // (grid * D)
    blk = bb * D
    ispec = pl.BlockSpec((L, blk), lambda i: (0, i))
    return pl.pallas_call(
        _prep_body,
        grid=(grid,),
        in_specs=[
            ispec, ispec, ispec, ispec,
            pl.BlockSpec((CAT_ROWS, D), lambda i: (0, 0)),
        ],
        out_specs=[
            pl.BlockSpec((L, bb, D), lambda i: (0, i, 0)),
            pl.BlockSpec((N_T, D), lambda i: (0, 0)),
        ],
        out_shape=[
            jax.ShapeDtypeStruct((L, B // D, D), jnp.int32),
            jax.ShapeDtypeStruct((N_T, D), jnp.float32),
        ],
    )(card, st, vi, od, cat)


def _make_sc_gather(n_rows):
    info = plsc.get_sparse_core_info()
    nc, ns = info.num_cores, info.num_subcores
    nw = nc * ns
    rw = n_rows // nw
    blk = 128
    nblk = rw // blk
    nbuf = 4
    lookahead = 3
    ngrp = nblk // nbuf
    mesh = plsc.VectorSubcoreMesh(core_axis_name="c", subcore_axis_name="s")

    @functools.partial(
        pl.kernel,
        out_type=jax.ShapeDtypeStruct((n_rows, D), jnp.float32),
        mesh=mesh,
        scratch_types=[
            pltpu.VMEM((nblk, blk), jnp.int32),
            pltpu.VMEM((nbuf, blk, D), jnp.float32),
            pltpu.VMEM_SHARED((N_T, D), jnp.float32),
            [pltpu.SemaphoreType.DMA] * nbuf,
            [pltpu.SemaphoreType.DMA] * nbuf,
        ],
    )
    def sc_gather(t_hbm, idx_hbm, out_hbm, idx_v, rows_v, spt, gsems, wsems):
        wid = lax.axis_index("s") * nc + lax.axis_index("c")
        base = wid * rw
        sid = lax.axis_index("s")

        toff = sid * 192
        for coff, csz in ((0, 128), (128, 64)):
            pltpu.sync_copy(t_hbm.at[pl.ds(toff + coff, csz)],
                            rows_v.at[0, pl.ds(0, csz)])
            pltpu.sync_copy(rows_v.at[0, pl.ds(0, csz)],
                            spt.at[pl.ds(toff + coff, csz)])

        @pl.when(sid == 0)
        def _():
            pltpu.sync_copy(t_hbm.at[pl.ds(16 * 192, 48)],
                            rows_v.at[0, pl.ds(0, 48)])
            pltpu.sync_copy(rows_v.at[0, pl.ds(0, 48)],
                            spt.at[pl.ds(16 * 192, 48)])
        pltpu.sync_copy(idx_hbm.at[wid], idx_v)
        plsc.subcore_barrier()

        for m in range(lookahead):
            pltpu.async_copy(spt.at[idx_v.at[m]], rows_v.at[m % nbuf],
                             gsems[m % nbuf])

        def group(g, carry):
            for b in range(nbuf):
                j = g * nbuf + b
                m_b = (b + lookahead) % nbuf
                mj = j + lookahead

                @pl.when(mj < nblk)
                def _():
                    @pl.when(mj >= nbuf)
                    def _():
                        pltpu.make_async_copy(
                            rows_v.at[m_b],
                            out_hbm.at[pl.ds(base, blk)],
                            wsems[m_b],
                        ).wait()
                    pltpu.async_copy(spt.at[idx_v.at[mj]],
                                     rows_v.at[m_b], gsems[m_b])

                pltpu.make_async_copy(
                    spt.at[idx_v.at[j]], rows_v.at[b], gsems[b]
                ).wait()
                pltpu.async_copy(rows_v.at[b],
                                 out_hbm.at[pl.ds(base + j * blk, blk)],
                                 wsems[b])
            return carry

        lax.fori_loop(0, ngrp, group, 0)

        for b in range(nbuf):
            pltpu.make_async_copy(
                rows_v.at[b], out_hbm.at[pl.ds(base, blk)], wsems[b]
            ).wait()

    return sc_gather, nw, nblk, blk


def kernel(card_indices, stages, visibility, order,
           rank_emb, suit_emb, stage_emb, visibility_emb, order_emb):
    B, L = card_indices.shape
    n = B * L

    card = card_indices.astype(jnp.int32).T
    st = stages.astype(jnp.int32).T
    vi = visibility.astype(jnp.int32).T
    od = order.astype(jnp.int32).T

    def pad8(t, r):
        return jnp.pad(t, ((0, r - t.shape[0]), (0, 0)))

    cat = jnp.concatenate([
        pad8(rank_emb, 16), pad8(suit_emb, 8), pad8(stage_emb, 8),
        pad8(visibility_emb, 8), pad8(order_emb, 8),
    ], axis=0)

    cidx, table = _prep(card, st, vi, od, cat)

    sc_gather, nw, nblk, blk = _make_sc_gather(n)
    idx3 = cidx.reshape(nw, nblk, blk)
    out = sc_gather(table, idx3)
    return out.reshape(L, B, D).transpose(1, 0, 2)

# --- scband reference (transcript-rebuilt; emitter-appended) ---
"""Pipeline reference for scband-card-embedding-17961553232550 (READ-ONLY COPY).

The authoritative reference and input builder live on the scoring server;
editing this copy changes nothing except your own understanding.
"""

import jax, jax.numpy as jnp
import numpy as np

D_MODEL = 128
B, L = 16384, 50

def setup_inputs(seed: int = 0) -> dict:
    key = jax.random.key(seed)
    ks = jax.random.split(key, 9)
    card_indices = jax.random.randint(ks[0], (B, L), 0, 52, dtype=jnp.int64 if jax.config.jax_enable_x64 else jnp.int32)
    stages = jax.random.randint(ks[1], (B, L), 0, 4)
    visibility = jax.random.randint(ks[2], (B, L), 0, 3)
    order = jax.random.randint(ks[3], (B, L), 0, 5)
    rank_emb = jax.random.normal(ks[4], (13, D_MODEL), dtype=jnp.float32)
    suit_emb = jax.random.normal(ks[5], (4, D_MODEL), dtype=jnp.float32)
    stage_emb = jax.random.normal(ks[6], (4, D_MODEL), dtype=jnp.float32)
    visibility_emb = jax.random.normal(ks[7], (3, D_MODEL), dtype=jnp.float32)
    order_emb = jax.random.normal(ks[8], (5, D_MODEL), dtype=jnp.float32)
    return {
        'card_indices': card_indices,
        'stages': stages,
        'visibility': visibility,
        'order': order,
        'rank_emb': rank_emb,
        'suit_emb': suit_emb,
        'stage_emb': stage_emb,
        'visibility_emb': visibility_emb,
        'order_emb': order_emb,
    }

def reference(card_indices, stages, visibility, order, rank_emb, suit_emb, stage_emb, visibility_emb, order_emb):
    ranks = card_indices % 13
    suits = card_indices // 13
    embeddings = (
        jnp.take(rank_emb, ranks, axis=0)
        + jnp.take(suit_emb, suits, axis=0)
        + jnp.take(stage_emb, stages, axis=0)
        + jnp.take(visibility_emb, visibility, axis=0)
        + jnp.take(order_emb, order, axis=0)
    )
    return embeddings

if __name__ == "__main__":
    import jax
    _d = setup_inputs()
    print(jax.jit(kernel)(*tuple(_d.values())))

</pallas_src>

<mosaic_0001>
#map = affine_map<(d0, d1) -> (0, 0)>
#map1 = affine_map<(d0, d1) -> (0, 0, 0)>
module attributes {stable_mosaic.version = 14 : i64} {
  func.func @sc_gather(%arg0: i32, %arg1: i32, %arg2: memref<3120x128xf32, #tpu.memory_space<hbm>>, %arg3: memref<32x200x128xi32, #tpu.memory_space<hbm>>, %arg4: memref<819200x128xf32, #tpu.memory_space<hbm>>, %arg5: memref<200x128xi32, #tpu.memory_space<vmem>>, %arg6: memref<4x128x128xf32, #tpu.memory_space<vmem>>, %arg7: memref<3120x128xf32, #tpu.memory_space<vmem_shared>>, %arg8: memref<!tpu.dma_semaphore, #tpu.memory_space<semaphore_mem>>, %arg9: memref<!tpu.dma_semaphore, #tpu.memory_space<semaphore_mem>>, %arg10: memref<!tpu.dma_semaphore, #tpu.memory_space<semaphore_mem>>, %arg11: memref<!tpu.dma_semaphore, #tpu.memory_space<semaphore_mem>>, %arg12: memref<!tpu.dma_semaphore, #tpu.memory_space<semaphore_mem>>, %arg13: memref<!tpu.dma_semaphore, #tpu.memory_space<semaphore_mem>>, %arg14: memref<!tpu.dma_semaphore, #tpu.memory_space<semaphore_mem>>, %arg15: memref<!tpu.dma_semaphore, #tpu.memory_space<semaphore_mem>>) attributes {dimension_semantics = [#tpu.dimension_semantics<core_parallel>, #tpu.dimension_semantics<subcore_parallel>], iteration_bounds = array<i64: 2, 16>, scalar_prefetch = 0 : i64, scratch_operands = 11 : i64, tpu.core_type = #tpu.core_type<sc_vector_subcore>, window_params = [{transform_indices = #map}, {transform_indices = #map1}, {transform_indices = #map}]} {
    %mul3A = arith.constant 2 : i32
    %mul3A_0 = arith.muli %arg1, %mul3A : i32
    %add3A = arith.addi %mul3A_0, %arg0 : i32
    %mul3A_1 = arith.constant 25600 : i32
    %mul3A_2 = arith.muli %add3A, %mul3A_1 : i32
    %mul3A_3 = arith.constant 192 : i32
    %mul3A_4 = arith.muli %arg1, %mul3A_3 : i32
    %add3A_5 = arith.constant 0 : i32
    %add3A_6 = arith.addi %mul3A_4, %add3A_5 : i32
    %run_scoped3A = arith.constant 0 : i32
    "tpu.region"() ({
      %run_scoped3A_109 = tpu.sem_alloc : memref<!tpu.dma_semaphore, #tpu.memory_space<semaphore_mem>>
      %dma_start3A_110 = arith.constant 0 : i32
      %dma_start3A_111 = arith.constant 0 : i32
      %dma_start3A_112 = tpu.memref_slice %arg6[%run_scoped3A, %dma_start3A_110, %dma_start3A_111] : memref<4x128x128xf32, #tpu.memory_space<vmem>> -> memref<1x128x128xf32, #tpu.memory_space<vmem>>
      %dma_start3A_113 = tpu.memref_squeeze %dma_start3A_112 : memref<1x128x128xf32, #tpu.memory_space<vmem>> -> memref<128x128xf32, #tpu.memory_space<vmem>>
      %dma_start3A_114 = arith.constant 0 : i32
      %dma_start3A_115 = tpu.memref_slice %arg2[%add3A_6, %dma_start3A_114] : memref<3120x128xf32, #tpu.memory_space<hbm>> -> memref<128x128xf32, #tpu.memory_space<hbm>>
      %dma_start3A_116 = arith.constant 0 : i32
      %dma_start3A_117 = arith.constant 0 : i32
      %dma_start3A_118 = tpu.memref_slice %arg6[%run_scoped3A, %dma_start3A_116, %dma_start3A_117] : memref<4x128x128xf32, #tpu.memory_space<vmem>> -> memref<1x128x128xf32, #tpu.memory_space<vmem>>
      %dma_start3A_119 = tpu.memref_squeeze %dma_start3A_118 : memref<1x128x128xf32, #tpu.memory_space<vmem>> -> memref<128x128xf32, #tpu.memory_space<vmem>>
      %dma_start3A_120 = arith.constant 0 : i32
      %dma_start3A_121 = tpu.memref_slice %arg2[%add3A_6, %dma_start3A_120] : memref<3120x128xf32, #tpu.memory_space<hbm>> -> memref<128x128xf32, #tpu.memory_space<hbm>>
      tpu.enqueue_dma source(%dma_start3A_121 : memref<128x128xf32, #tpu.memory_space<hbm>>) target(%dma_start3A_119 : memref<128x128xf32, #tpu.memory_space<vmem>>) target_semaphore(%run_scoped3A_109 : memref<!tpu.dma_semaphore, #tpu.memory_space<semaphore_mem>>)
      %dma_wait3A_122 = arith.constant 0 : i32
      %dma_wait3A_123 = arith.constant 0 : i32
      %dma_wait3A_124 = tpu.memref_slice %arg6[%run_scoped3A, %dma_wait3A_122, %dma_wait3A_123] : memref<4x128x128xf32, #tpu.memory_space<vmem>> -> memref<1x128x128xf32, #tpu.memory_space<vmem>>
      %dma_wait3A_125 = tpu.memref_squeeze %dma_wait3A_124 : memref<1x128x128xf32, #tpu.memory_space<vmem>> -> memref<128x128xf32, #tpu.memory_space<vmem>>
      %dma_wait3A_126 = arith.constant 0 : i32
      %dma_wait3A_127 = tpu.memref_slice %arg2[%add3A_6, %dma_wait3A_126] : memref<3120x128xf32, #tpu.memory_space<hbm>> -> memref<128x128xf32, #tpu.memory_space<hbm>>
      %dma_wait3A_128 = arith.constant 0 : i32
      %dma_wait3A_129 = arith.constant 0 : i32
      %dma_wait3A_130 = tpu.memref_slice %arg6[%run_scoped3A, %dma_wait3A_128, %dma_wait3A_129] : memref<4x128x128xf32, #tpu.memory_space<vmem>> -> memref<1x128x128xf32, #tpu.memory_space<vmem>>
      %dma_wait3A_131 = tpu.memref_squeeze %dma_wait3A_130 : memref<1x128x128xf32, #tpu.memory_space<vmem>> -> memref<128x128xf32, #tpu.memory_space<vmem>>
      %dma_wait3A_132 = arith.constant 0 : i32
      %dma_wait3A_133 = tpu.memref_slice %arg2[%add3A_6, %dma_wait3A_132] : memref<3120x128xf32, #tpu.memory_space<hbm>> -> memref<128x128xf32, #tpu.memory_space<hbm>>
      tpu.wait_dma2 semaphore(%run_scoped3A_109 : memref<!tpu.dma_semaphore, #tpu.memory_space<semaphore_mem>>) src(%dma_wait3A_133 : memref<128x128xf32, #tpu.memory_space<hbm>>) dst(%dma_wait3A_131 : memref<128x128xf32, #tpu.memory_space<vmem>>)
      tpu.yield
    }) : () -> ()
    %add3A_7 = arith.constant 0 : i32
    %add3A_8 = arith.addi %mul3A_4, %add3A_7 : i32
    %run_scoped3A_9 = arith.constant 0 : i32
    "tpu.region"() ({
      %run_scoped3A_109 = tpu.sem_alloc : memref<!tpu.dma_semaphore, #tpu.memory_space<semaphore_mem>>
      %dma_start3A_110 = arith.constant 0 : i32
      %dma_start3A_111 = arith.constant 0 : i32
      %dma_start3A_112 = tpu.memref_slice %arg6[%run_scoped3A_9, %dma_start3A_110, %dma_start3A_111] : memref<4x128x128xf32, #tpu.memory_space<vmem>> -> memref<1x128x128xf32, #tpu.memory_space<vmem>>
      %dma_start3A_113 = tpu.memref_squeeze %dma_start3A_112 : memref<1x128x128xf32, #tpu.memory_space<vmem>> -> memref<128x128xf32, #tpu.memory_space<vmem>>
      %dma_start3A_114 = arith.constant 0 : i32
      %dma_start3A_115 = tpu.memref_slice %arg7[%add3A_8, %dma_start3A_114] : memref<3120x128xf32, #tpu.memory_space<vmem_shared>> -> memref<128x128xf32, #tpu.memory_space<vmem_shared>>
      %dma_start3A_116 = arith.constant 0 : i32
      %dma_start3A_117 = tpu.memref_slice %arg7[%add3A_8, %dma_start3A_116] : memref<3120x128xf32, #tpu.memory_space<vmem_shared>> -> memref<128x128xf32, #tpu.memory_space<vmem_shared>>
      %dma_start3A_118 = arith.constant 0 : i32
      %dma_start3A_119 = arith.constant 0 : i32
      %dma_start3A_120 = tpu.memref_slice %arg6[%run_scoped3A_9, %dma_start3A_118, %dma_start3A_119] : memref<4x128x128xf32, #tpu.memory_space<vmem>> -> memref<1x128x128xf32, #tpu.memory_space<vmem>>
      %dma_start3A_121 = tpu.memref_squeeze %dma_start3A_120 : memref<1x128x128xf32, #tpu.memory_space<vmem>> -> memref<128x128xf32, #tpu.memory_space<vmem>>
      tpu.enqueue_dma source(%dma_start3A_121 : memref<128x128xf32, #tpu.memory_space<vmem>>) target(%dma_start3A_117 : memref<128x128xf32, #tpu.memory_space<vmem_shared>>) target_semaphore(%run_scoped3A_109 : memref<!tpu.dma_semaphore, #tpu.memory_space<semaphore_mem>>)
      %dma_wait3A_122 = arith.constant 0 : i32
      %dma_wait3A_123 = arith.constant 0 : i32
      %dma_wait3A_124 = tpu.memref_slice %arg6[%run_scoped3A_9, %dma_wait3A_122, %dma_wait3A_123] : memref<4x128x128xf32, #tpu.memory_space<vmem>> -> memref<1x128x128xf32, #tpu.memory_space<vmem>>
      %dma_wait3A_125 = tpu.memref_squeeze %dma_wait3A_124 : memref<1x128x128xf32, #tpu.memory_space<vmem>> -> memref<128x128xf32, #tpu.memory_space<vmem>>
      %dma_wait3A_126 = arith.constant 0 : i32
      %dma_wait3A_127 = tpu.memref_slice %arg7[%add3A_8, %dma_wait3A_126] : memref<3120x128xf32, #tpu.memory_space<vmem_shared>> -> memref<128x128xf32, #tpu.memory_space<vmem_shared>>
      %dma_wait3A_128 = arith.constant 0 : i32
      %dma_wait3A_129 = tpu.memref_slice %arg7[%add3A_8, %dma_wait3A_128] : memref<3120x128xf32, #tpu.memory_space<vmem_shared>> -> memref<128x128xf32, #tpu.memory_space<vmem_shared>>
      %dma_wait3A_130 = arith.constant 0 : i32
      %dma_wait3A_131 = arith.constant 0 : i32
      %dma_wait3A_132 = tpu.memref_slice %arg6[%run_scoped3A_9, %dma_wait3A_130, %dma_wait3A_131] : memref<4x128x128xf32, #tpu.memory_space<vmem>> -> memref<1x128x128xf32, #tpu.memory_space<vmem>>
      %dma_wait3A_133 = tpu.memref_squeeze %dma_wait3A_132 : memref<1x128x128xf32, #tpu.memory_space<vmem>> -> memref<128x128xf32, #tpu.memory_space<vmem>>
      tpu.wait_dma2 semaphore(%run_scoped3A_109 : memref<!tpu.dma_semaphore, #tpu.memory_space<semaphore_mem>>) src(%dma_wait3A_133 : memref<128x128xf32, #tpu.memory_space<vmem>>) dst(%dma_wait3A_129 : memref<128x128xf32, #tpu.memory_space<vmem_shared>>)
      tpu.yield
    }) : () -> ()
    %add3A_10 = arith.constant 128 : i32
    %add3A_11 = arith.addi %mul3A_4, %add3A_10 : i32
    %run_scoped3A_12 = arith.constant 0 : i32
    "tpu.region"() ({
      %run_scoped3A_109 = tpu.sem_alloc : memref<!tpu.dma_semaphore, #tpu.memory_space<semaphore_mem>>
      %dma_start3A_110 = arith.constant 0 : i32
      %dma_start3A_111 = arith.constant 0 : i32
      %dma_start3A_112 = tpu.memref_slice %arg6[%run_scoped3A_12, %dma_start3A_110, %dma_start3A_111] : memref<4x128x128xf32, #tpu.memory_space<vmem>> -> memref<1x64x128xf32, #tpu.memory_space<vmem>>
      %dma_start3A_113 = tpu.memref_squeeze %dma_start3A_112 : memref<1x64x128xf32, #tpu.memory_space<vmem>> -> memref<64x128xf32, #tpu.memory_space<vmem>>
      %dma_start3A_114 = arith.constant 0 : i32
      %dma_start3A_115 = tpu.memref_slice %arg2[%add3A_11, %dma_start3A_114] : memref<3120x128xf32, #tpu.memory_space<hbm>> -> memref<64x128xf32, #tpu.memory_space<hbm>>
      %dma_start3A_116 = arith.constant 0 : i32
      %dma_start3A_117 = arith.constant 0 : i32
      %dma_start3A_118 = tpu.memref_slice %arg6[%run_scoped3A_12, %dma_start3A_116, %dma_start3A_117] : memref<4x128x128xf32, #tpu.memory_space<vmem>> -> memref<1x64x128xf32, #tpu.memory_space<vmem>>
      %dma_start3A_119 = tpu.memref_squeeze %dma_start3A_118 : memref<1x64x128xf32, #tpu.memory_space<vmem>> -> memref<64x128xf32, #tpu.memory_space<vmem>>
      %dma_start3A_120 = arith.constant 0 : i32
      %dma_start3A_121 = tpu.memref_slice %arg2[%add3A_11, %dma_start3A_120] : memref<3120x128xf32, #tpu.memory_space<hbm>> -> memref<64x128xf32, #tpu.memory_space<hbm>>
      tpu.enqueue_dma source(%dma_start3A_121 : memref<64x128xf32, #tpu.memory_space<hbm>>) target(%dma_start3A_119 : memref<64x128xf32, #tpu.memory_space<vmem>>) target_semaphore(%run_scoped3A_109 : memref<!tpu.dma_semaphore, #tpu.memory_space<semaphore_mem>>)
      %dma_wait3A_122 = arith.constant 0 : i32
      %dma_wait3A_123 = arith.constant 0 : i32
      %dma_wait3A_124 = tpu.memref_slice %arg6[%run_scoped3A_12, %dma_wait3A_122, %dma_wait3A_123] : memref<4x128x128xf32, #tpu.memory_space<vmem>> -> memref<1x64x128xf32, #tpu.memory_space<vmem>>
      %dma_wait3A_125 = tpu.memref_squeeze %dma_wait3A_124 : memref<1x64x128xf32, #tpu.memory_space<vmem>> -> memref<64x128xf32, #tpu.memory_space<vmem>>
      %dma_wait3A_126 = arith.constant 0 : i32
      %dma_wait3A_127 = tpu.memref_slice %arg2[%add3A_11, %dma_wait3A_126] : memref<3120x128xf32, #tpu.memory_space<hbm>> -> memref<64x128xf32, #tpu.memory_space<hbm>>
      %dma_wait3A_128 = arith.constant 0 : i32
      %dma_wait3A_129 = arith.constant 0 : i32
      %dma_wait3A_130 = tpu.memref_slice %arg6[%run_scoped3A_12, %dma_wait3A_128, %dma_wait3A_129] : memref<4x128x128xf32, #tpu.memory_space<vmem>> -> memref<1x64x128xf32, #tpu.memory_space<vmem>>
      %dma_wait3A_131 = tpu.memref_squeeze %dma_wait3A_130 : memref<1x64x128xf32, #tpu.memory_space<vmem>> -> memref<64x128xf32, #tpu.memory_space<vmem>>
      %dma_wait3A_132 = arith.constant 0 : i32
      %dma_wait3A_133 = tpu.memref_slice %arg2[%add3A_11, %dma_wait3A_132] : memref<3120x128xf32, #tpu.memory_space<hbm>> -> memref<64x128xf32, #tpu.memory_space<hbm>>
      tpu.wait_dma2 semaphore(%run_scoped3A_109 : memref<!tpu.dma_semaphore, #tpu.memory_space<semaphore_mem>>) src(%dma_wait3A_133 : memref<64x128xf32, #tpu.memory_space<hbm>>) dst(%dma_wait3A_131 : memref<64x128xf32, #tpu.memory_space<vmem>>)
      tpu.yield
    }) : () -> ()
    %add3A_13 = arith.constant 128 : i32
    %add3A_14 = arith.addi %mul3A_4, %add3A_13 : i32
    %run_scoped3A_15 = arith.constant 0 : i32
    "tpu.region"() ({
      %run_scoped3A_109 = tpu.sem_alloc : memref<!tpu.dma_semaphore, #tpu.memory_space<semaphore_mem>>
      %dma_start3A_110 = arith.constant 0 : i32
      %dma_start3A_111 = arith.constant 0 : i32
      %dma_start3A_112 = tpu.memref_slice %arg6[%run_scoped3A_15, %dma_start3A_110, %dma_start3A_111] : memref<4x128x128xf32, #tpu.memory_space<vmem>> -> memref<1x64x128xf32, #tpu.memory_space<vmem>>
      %dma_start3A_113 = tpu.memref_squeeze %dma_start3A_112 : memref<1x64x128xf32, #tpu.memory_space<vmem>> -> memref<64x128xf32, #tpu.memory_space<vmem>>
      %dma_start3A_114 = arith.constant 0 : i32
      %dma_start3A_115 = tpu.memref_slice %arg7[%add3A_14, %dma_start3A_114] : memref<3120x128xf32, #tpu.memory_space<vmem_shared>> -> memref<64x128xf32, #tpu.memory_space<vmem_shared>>
      %dma_start3A_116 = arith.constant 0 : i32
      %dma_start3A_117 = tpu.memref_slice %arg7[%add3A_14, %dma_start3A_116] : memref<3120x128xf32, #tpu.memory_space<vmem_shared>> -> memref<64x128xf32, #tpu.memory_space<vmem_shared>>
      %dma_start3A_118 = arith.constant 0 : i32
      %dma_start3A_119 = arith.constant 0 : i32
      %dma_start3A_120 = tpu.memref_slice %arg6[%run_scoped3A_15, %dma_start3A_118, %dma_start3A_119] : memref<4x128x128xf32, #tpu.memory_space<vmem>> -> memref<1x64x128xf32, #tpu.memory_space<vmem>>
      %dma_start3A_121 = tpu.memref_squeeze %dma_start3A_120 : memref<1x64x128xf32, #tpu.memory_space<vmem>> -> memref<64x128xf32, #tpu.memory_space<vmem>>
      tpu.enqueue_dma source(%dma_start3A_121 : memref<64x128xf32, #tpu.memory_space<vmem>>) target(%dma_start3A_117 : memref<64x128xf32, #tpu.memory_space<vmem_shared>>) target_semaphore(%run_scoped3A_109 : memref<!tpu.dma_semaphore, #tpu.memory_space<semaphore_mem>>)
      %dma_wait3A_122 = arith.constant 0 : i32
      %dma_wait3A_123 = arith.constant 0 : i32
      %dma_wait3A_124 = tpu.memref_slice %arg6[%run_scoped3A_15, %dma_wait3A_122, %dma_wait3A_123] : memref<4x128x128xf32, #tpu.memory_space<vmem>> -> memref<1x64x128xf32, #tpu.memory_space<vmem>>
      %dma_wait3A_125 = tpu.memref_squeeze %dma_wait3A_124 : memref<1x64x128xf32, #tpu.memory_space<vmem>> -> memref<64x128xf32, #tpu.memory_space<vmem>>
      %dma_wait3A_126 = arith.constant 0 : i32
      %dma_wait3A_127 = tpu.memref_slice %arg7[%add3A_14, %dma_wait3A_126] : memref<3120x128xf32, #tpu.memory_space<vmem_shared>> -> memref<64x128xf32, #tpu.memory_space<vmem_shared>>
      %dma_wait3A_128 = arith.constant 0 : i32
      %dma_wait3A_129 = tpu.memref_slice %arg7[%add3A_14, %dma_wait3A_128] : memref<3120x128xf32, #tpu.memory_space<vmem_shared>> -> memref<64x128xf32, #tpu.memory_space<vmem_shared>>
      %dma_wait3A_130 = arith.constant 0 : i32
      %dma_wait3A_131 = arith.constant 0 : i32
      %dma_wait3A_132 = tpu.memref_slice %arg6[%run_scoped3A_15, %dma_wait3A_130, %dma_wait3A_131] : memref<4x128x128xf32, #tpu.memory_space<vmem>> -> memref<1x64x128xf32, #tpu.memory_space<vmem>>
      %dma_wait3A_133 = tpu.memref_squeeze %dma_wait3A_132 : memref<1x64x128xf32, #tpu.memory_space<vmem>> -> memref<64x128xf32, #tpu.memory_space<vmem>>
      tpu.wait_dma2 semaphore(%run_scoped3A_109 : memref<!tpu.dma_semaphore, #tpu.memory_space<semaphore_mem>>) src(%dma_wait3A_133 : memref<64x128xf32, #tpu.memory_space<vmem>>) dst(%dma_wait3A_129 : memref<64x128xf32, #tpu.memory_space<vmem_shared>>)
      tpu.yield
    }) : () -> ()
    %eq3A = arith.constant 0 : i32
    %eq3A_16 = arith.cmpi eq, %arg1, %eq3A : i32
    %convert_element_type3A = arith.extui %eq3A_16 : i1 to i32
    %cond3A = arith.constant 0 : i32
    %cond3A_17 = arith.cmpi ne, %convert_element_type3A, %cond3A : i32
    scf.if %cond3A_17 {
      %run_scoped3A_109 = arith.constant 0 : i32
      "tpu.region"() ({
        %run_scoped3A_111 = tpu.sem_alloc : memref<!tpu.dma_semaphore, #tpu.memory_space<semaphore_mem>>
        %dma_start3A_112 = arith.constant 0 : i32
        %dma_start3A_113 = arith.constant 0 : i32
        %dma_start3A_114 = tpu.memref_slice %arg6[%run_scoped3A_109, %dma_start3A_112, %dma_start3A_113] : memref<4x128x128xf32, #tpu.memory_space<vmem>> -> memref<1x48x128xf32, #tpu.memory_space<vmem>>
        %dma_start3A_115 = tpu.memref_squeeze %dma_start3A_114 : memref<1x48x128xf32, #tpu.memory_space<vmem>> -> memref<48x128xf32, #tpu.memory_space<vmem>>
        %dma_start3A_116 = arith.constant 3072 : i32
        %dma_start3A_117 = arith.constant 0 : i32
        %dma_start3A_118 = tpu.memref_slice %arg2[%dma_start3A_116, %dma_start3A_117] : memref<3120x128xf32, #tpu.memory_space<hbm>> -> memref<48x128xf32, #tpu.memory_space<hbm>>
        %dma_start3A_119 = arith.constant 0 : i32
        %dma_start3A_120 = arith.constant 0 : i32
        %dma_start3A_121 = tpu.memref_slice %arg6[%run_scoped3A_109, %dma_start3A_119, %dma_start3A_120] : memref<4x128x128xf32, #tpu.memory_space<vmem>> -> memref<1x48x128xf32, #tpu.memory_space<vmem>>
        %dma_start3A_122 = tpu.memref_squeeze %dma_start3A_121 : memref<1x48x128xf32, #tpu.memory_space<vmem>> -> memref<48x128xf32, #tpu.memory_space<vmem>>
        %dma_start3A_123 = arith.constant 3072 : i32
        %dma_start3A_124 = arith.constant 0 : i32
        %dma_start3A_125 = tpu.memref_slice %arg2[%dma_start3A_123, %dma_start3A_124] : memref<3120x128xf32, #tpu.memory_space<hbm>> -> memref<48x128xf32, #tpu.memory_space<hbm>>
        tpu.enqueue_dma source(%dma_start3A_125 : memref<48x128xf32, #tpu.memory_space<hbm>>) target(%dma_start3A_122 : memref<48x128xf32, #tpu.memory_space<vmem>>) target_semaphore(%run_scoped3A_111 : memref<!tpu.dma_semaphore, #tpu.memory_space<semaphore_mem>>)
        %dma_wait3A_126 = arith.constant 0 : i32
        %dma_wait3A_127 = arith.constant 0 : i32
        %dma_wait3A_128 = tpu.memref_slice %arg6[%run_scoped3A_109, %dma_wait3A_126, %dma_wait3A_127] : memref<4x128x128xf32, #tpu.memory_space<vmem>> -> memref<1x48x128xf32, #tpu.memory_space<vmem>>
        %dma_wait3A_129 = tpu.memref_squeeze %dma_wait3A_128 : memref<1x48x128xf32, #tpu.memory_space<vmem>> -> memref<48x128xf32, #tpu.memory_space<vmem>>
        %dma_wait3A_130 = arith.constant 3072 : i32
        %dma_wait3A_131 = arith.constant 0 : i32
        %dma_wait3A_132 = tpu.memref_slice %arg2[%dma_wait3A_130, %dma_wait3A_131] : memref<3120x128xf32, #tpu.memory_space<hbm>> -> memref<48x128xf32, #tpu.memory_space<hbm>>
        %dma_wait3A_133 = arith.constant 0 : i32
        %dma_wait3A_134 = arith.constant 0 : i32
        %dma_wait3A_135 = tpu.memref_slice %arg6[%run_scoped3A_109, %dma_wait3A_133, %dma_wait3A_134] : memref<4x128x128xf32, #tpu.memory_space<vmem>> -> memref<1x48x128xf32, #tpu.memory_space<vmem>>
        %dma_wait3A_136 = tpu.memref_squeeze %dma_wait3A_135 : memref<1x48x128xf32, #tpu.memory_space<vmem>> -> memref<48x128xf32, #tpu.memory_space<vmem>>
        %dma_wait3A_137 = arith.constant 3072 : i32
        %dma_wait3A_138 = arith.constant 0 : i32
        %dma_wait3A_139 = tpu.memref_slice %arg2[%dma_wait3A_137, %dma_wait3A_138] : memref<3120x128xf32, #tpu.memory_space<hbm>> -> memref<48x128xf32, #tpu.memory_space<hbm>>
        tpu.wait_dma2 semaphore(%run_scoped3A_111 : memref<!tpu.dma_semaphore, #tpu.memory_space<semaphore_mem>>) src(%dma_wait3A_139 : memref<48x128xf32, #tpu.memory_space<hbm>>) dst(%dma_wait3A_136 : memref<48x128xf32, #tpu.memory_space<vmem>>)
        tpu.yield
      }) : () -> ()
      %run_scoped3A_110 = arith.constant 0 : i32
      "tpu.region"() ({
        %run_scoped3A_111 = tpu.sem_alloc : memref<!tpu.dma_semaphore, #tpu.memory_space<semaphore_mem>>
        %dma_start3A_112 = arith.constant 0 : i32
        %dma_start3A_113 = arith.constant 0 : i32
        %dma_start3A_114 = tpu.memref_slice %arg6[%run_scoped3A_110, %dma_start3A_112, %dma_start3A_113] : memref<4x128x128xf32, #tpu.memory_space<vmem>> -> memref<1x48x128xf32, #tpu.memory_space<vmem>>
        %dma_start3A_115 = tpu.memref_squeeze %dma_start3A_114 : memref<1x48x128xf32, #tpu.memory_space<vmem>> -> memref<48x128xf32, #tpu.memory_space<vmem>>
        %dma_start3A_116 = arith.constant 3072 : i32
        %dma_start3A_117 = arith.constant 0 : i32
        %dma_start3A_118 = tpu.memref_slice %arg7[%dma_start3A_116, %dma_start3A_117] : memref<3120x128xf32, #tpu.memory_space<vmem_shared>> -> memref<48x128xf32, #tpu.memory_space<vmem_shared>>
        %dma_start3A_119 = arith.constant 3072 : i32
        %dma_start3A_120 = arith.constant 0 : i32
        %dma_start3A_121 = tpu.memref_slice %arg7[%dma_start3A_119, %dma_start3A_120] : memref<3120x128xf32, #tpu.memory_space<vmem_shared>> -> memref<48x128xf32, #tpu.memory_space<vmem_shared>>
        %dma_start3A_122 = arith.constant 0 : i32
        %dma_start3A_123 = arith.constant 0 : i32
        %dma_start3A_124 = tpu.memref_slice %arg6[%run_scoped3A_110, %dma_start3A_122, %dma_start3A_123] : memref<4x128x128xf32, #tpu.memory_space<vmem>> -> memref<1x48x128xf32, #tpu.memory_space<vmem>>
        %dma_start3A_125 = tpu.memref_squeeze %dma_start3A_124 : memref<1x48x128xf32, #tpu.memory_space<vmem>> -> memref<48x128xf32, #tpu.memory_space<vmem>>
        tpu.enqueue_dma source(%dma_start3A_125 : memref<48x128xf32, #tpu.memory_space<vmem>>) target(%dma_start3A_121 : memref<48x128xf32, #tpu.memory_space<vmem_shared>>) target_semaphore(%run_scoped3A_111 : memref<!tpu.dma_semaphore, #tpu.memory_space<semaphore_mem>>)
        %dma_wait3A_126 = arith.constant 0 : i32
        %dma_wait3A_127 = arith.constant 0 : i32
        %dma_wait3A_128 = tpu.memref_slice %arg6[%run_scoped3A_110, %dma_wait3A_126, %dma_wait3A_127] : memref<4x128x128xf32, #tpu.memory_space<vmem>> -> memref<1x48x128xf32, #tpu.memory_space<vmem>>
        %dma_wait3A_129 = tpu.memref_squeeze %dma_wait3A_128 : memref<1x48x128xf32, #tpu.memory_space<vmem>> -> memref<48x128xf32, #tpu.memory_space<vmem>>
        %dma_wait3A_130 = arith.constant 3072 : i32
        %dma_wait3A_131 = arith.constant 0 : i32
        %dma_wait3A_132 = tpu.memref_slice %arg7[%dma_wait3A_130, %dma_wait3A_131] : memref<3120x128xf32, #tpu.memory_space<vmem_shared>> -> memref<48x128xf32, #tpu.memory_space<vmem_shared>>
        %dma_wait3A_133 = arith.constant 3072 : i32
        %dma_wait3A_134 = arith.constant 0 : i32
        %dma_wait3A_135 = tpu.memref_slice %arg7[%dma_wait3A_133, %dma_wait3A_134] : memref<3120x128xf32, #tpu.memory_space<vmem_shared>> -> memref<48x128xf32, #tpu.memory_space<vmem_shared>>
        %dma_wait3A_136 = arith.constant 0 : i32
        %dma_wait3A_137 = arith.constant 0 : i32
        %dma_wait3A_138 = tpu.memref_slice %arg6[%run_scoped3A_110, %dma_wait3A_136, %dma_wait3A_137] : memref<4x128x128xf32, #tpu.memory_space<vmem>> -> memref<1x48x128xf32, #tpu.memory_space<vmem>>
        %dma_wait3A_139 = tpu.memref_squeeze %dma_wait3A_138 : memref<1x48x128xf32, #tpu.memory_space<vmem>> -> memref<48x128xf32, #tpu.memory_space<vmem>>
        tpu.wait_dma2 semaphore(%run_scoped3A_111 : memref<!tpu.dma_semaphore, #tpu.memory_space<semaphore_mem>>) src(%dma_wait3A_139 : memref<48x128xf32, #tpu.memory_space<vmem>>) dst(%dma_wait3A_135 : memref<48x128xf32, #tpu.memory_space<vmem_shared>>)
        tpu.yield
      }) : () -> ()
    } else {
    }
    "tpu.region"() ({
      %run_scoped3A_109 = tpu.sem_alloc : memref<!tpu.dma_semaphore, #tpu.memory_space<semaphore_mem>>
      %dma_start3A_110 = arith.constant 0 : i32
      %dma_start3A_111 = arith.constant 0 : i32
      %dma_start3A_112 = tpu.memref_slice %arg3[%add3A, %dma_start3A_110, %dma_start3A_111] : memref<32x200x128xi32, #tpu.memory_space<hbm>> -> memref<1x200x128xi32, #tpu.memory_space<hbm>>
      %dma_start3A_113 = tpu.memref_squeeze %dma_start3A_112 : memref<1x200x128xi32, #tpu.memory_space<hbm>> -> memref<200x128xi32, #tpu.memory_space<hbm>>
      %dma_start3A_114 = arith.constant 0 : i32
      %dma_start3A_115 = arith.constant 0 : i32
      %dma_start3A_116 = tpu.memref_slice %arg3[%add3A, %dma_start3A_114, %dma_start3A_115] : memref<32x200x128xi32, #tpu.memory_space<hbm>> -> memref<1x200x128xi32, #tpu.memory_space<hbm>>
      %dma_start3A_117 = tpu.memref_squeeze %dma_start3A_116 : memref<1x200x128xi32, #tpu.memory_space<hbm>> -> memref<200x128xi32, #tpu.memory_space<hbm>>
      tpu.enqueue_dma source(%dma_start3A_117 : memref<200x128xi32, #tpu.memory_space<hbm>>) target(%arg5 : memref<200x128xi32, #tpu.memory_space<vmem>>) target_semaphore(%run_scoped3A_109 : memref<!tpu.dma_semaphore, #tpu.memory_space<semaphore_mem>>)
      %dma_wait3A_118 = arith.constant 0 : i32
      %dma_wait3A_119 = arith.constant 0 : i32
      %dma_wait3A_120 = tpu.memref_slice %arg3[%add3A, %dma_wait3A_118, %dma_wait3A_119] : memref<32x200x128xi32, #tpu.memory_space<hbm>> -> memref<1x200x128xi32, #tpu.memory_space<hbm>>
      %dma_wait3A_121 = tpu.memref_squeeze %dma_wait3A_120 : memref<1x200x128xi32, #tpu.memory_space<hbm>> -> memref<200x128xi32, #tpu.memory_space<hbm>>
      %dma_wait3A_122 = arith.constant 0 : i32
      %dma_wait3A_123 = arith.constant 0 : i32
      %dma_wait3A_124 = tpu.memref_slice %arg3[%add3A, %dma_wait3A_122, %dma_wait3A_123] : memref<32x200x128xi32, #tpu.memory_space<hbm>> -> memref<1x200x128xi32, #tpu.memory_space<hbm>>
      %dma_wait3A_125 = tpu.memref_squeeze %dma_wait3A_124 : memref<1x200x128xi32, #tpu.memory_space<hbm>> -> memref<200x128xi32, #tpu.memory_space<hbm>>
      tpu.wait_dma2 semaphore(%run_scoped3A_109 : memref<!tpu.dma_semaphore, #tpu.memory_space<semaphore_mem>>) src(%dma_wait3A_125 : memref<200x128xi32, #tpu.memory_space<hbm>>) dst(%arg5 : memref<200x128xi32, #tpu.memory_space<vmem>>)
      tpu.yield
    }) : () -> ()
    %barrier3A = arith.constant 0 : index
    tpu.barrier barrier_id(%barrier3A)
    %dma_start3A = arith.constant 0 : i32
    %dma_start3A_18 = arith.constant 0 : i32
    %dma_start3A_19 = arith.constant 0 : i32
    %dma_start3A_20 = arith.constant 0 : i32
    %dma_start3A_21 = tpu.memref_slice %arg6[%dma_start3A_18, %dma_start3A_19, %dma_start3A_20] : memref<4x128x128xf32, #tpu.memory_space<vmem>> -> memref<1x128x128xf32, #tpu.memory_space<vmem>>
    %dma_start3A_22 = tpu.memref_squeeze %dma_start3A_21 : memref<1x128x128xf32, #tpu.memory_space<vmem>> -> memref<128x128xf32, #tpu.memory_space<vmem>>
    %dma_start3A_23 = arith.constant 0 : i32
    %dma_start3A_24 = tpu.memref_slice %arg5[%dma_start3A, %dma_start3A_23] : memref<200x128xi32, #tpu.memory_space<vmem>> -> memref<1x128xi32, #tpu.memory_space<vmem>>
    %dma_start3A_25 = tpu.memref_squeeze %dma_start3A_24 : memref<1x128xi32, #tpu.memory_space<vmem>> -> memref<128xi32, #tpu.memory_space<vmem>>
    %dma_start3A_26 = arith.constant 0 : i32
    %dma_start3A_27 = arith.constant 0 : i32
    %dma_start3A_28 = tpu.memref_slice %arg7[%dma_start3A_26, %dma_start3A_27] : memref<3120x128xf32, #tpu.memory_space<vmem_shared>> -> memref<3120x128xf32, #tpu.memory_space<vmem_shared>>
    tpu.enqueue_indirect_dma source(%dma_start3A_28 : memref<3120x128xf32, #tpu.memory_space<vmem_shared>>) target(%dma_start3A_22 : memref<128x128xf32, #tpu.memory_space<vmem>>) offsets(%dma_start3A_25 : memref<128xi32, #tpu.memory_space<vmem>>) semaphore(%arg8 : memref<!tpu.dma_semaphore, #tpu.memory_space<semaphore_mem>>)
    %dma_start3A_29 = arith.constant 1 : i32
    %dma_start3A_30 = arith.constant 1 : i32
    %dma_start3A_31 = arith.constant 0 : i32
    %dma_start3A_32 = arith.constant 0 : i32
    %dma_start3A_33 = tpu.memref_slice %arg6[%dma_start3A_30, %dma_start3A_31, %dma_start3A_32] : memref<4x128x128xf32, #tpu.memory_space<vmem>> -> memref<1x128x128xf32, #tpu.memory_space<vmem>>
    %dma_start3A_34 = tpu.memref_squeeze %dma_start3A_33 : memref<1x128x128xf32, #tpu.memory_space<vmem>> -> memref<128x128xf32, #tpu.memory_space<vmem>>
    %dma_start3A_35 = arith.constant 0 : i32
    %dma_start3A_36 = tpu.memref_slice %arg5[%dma_start3A_29, %dma_start3A_35] : memref<200x128xi32, #tpu.memory_space<vmem>> -> memref<1x128xi32, #tpu.memory_space<vmem>>
    %dma_start3A_37 = tpu.memref_squeeze %dma_start3A_36 : memref<1x128xi32, #tpu.memory_space<vmem>> -> memref<128xi32, #tpu.memory_space<vmem>>
    %dma_start3A_38 = arith.constant 0 : i32
    %dma_start3A_39 = arith.constant 0 : i32
    %dma_start3A_40 = tpu.memref_slice %arg7[%dma_start3A_38, %dma_start3A_39] : memref<3120x128xf32, #tpu.memory_space<vmem_shared>> -> memref<3120x128xf32, #tpu.memory_space<vmem_shared>>
    tpu.enqueue_indirect_dma source(%dma_start3A_40 : memref<3120x128xf32, #tpu.memory_space<vmem_shared>>) target(%dma_start3A_34 : memref<128x128xf32, #tpu.memory_space<vmem>>) offsets(%dma_start3A_37 : memref<128xi32, #tpu.memory_space<vmem>>) semaphore(%arg9 : memref<!tpu.dma_semaphore, #tpu.memory_space<semaphore_mem>>)
    %dma_start3A_41 = arith.constant 2 : i32
    %dma_start3A_42 = arith.constant 2 : i32
    %dma_start3A_43 = arith.constant 0 : i32
    %dma_start3A_44 = arith.constant 0 : i32
    %dma_start3A_45 = tpu.memref_slice %arg6[%dma_start3A_42, %dma_start3A_43, %dma_start3A_44] : memref<4x128x128xf32, #tpu.memory_space<vmem>> -> memref<1x128x128xf32, #tpu.memory_space<vmem>>
    %dma_start3A_46 = tpu.memref_squeeze %dma_start3A_45 : memref<1x128x128xf32, #tpu.memory_space<vmem>> -> memref<128x128xf32, #tpu.memory_space<vmem>>
    %dma_start3A_47 = arith.constant 0 : i32
    %dma_start3A_48 = tpu.memref_slice %arg5[%dma_start3A_41, %dma_start3A_47] : memref<200x128xi32, #tpu.memory_space<vmem>> -> memref<1x128xi32, #tpu.memory_space<vmem>>
    %dma_start3A_49 = tpu.memref_squeeze %dma_start3A_48 : memref<1x128xi32, #tpu.memory_space<vmem>> -> memref<128xi32, #tpu.memory_space<vmem>>
    %dma_start3A_50 = arith.constant 0 : i32
    %dma_start3A_51 = arith.constant 0 : i32
    %dma_start3A_52 = tpu.memref_slice %arg7[%dma_start3A_50, %dma_start3A_51] : memref<3120x128xf32, #tpu.memory_space<vmem_shared>> -> memref<3120x128xf32, #tpu.memory_space<vmem_shared>>
    tpu.enqueue_indirect_dma source(%dma_start3A_52 : memref<3120x128xf32, #tpu.memory_space<vmem_shared>>) target(%dma_start3A_46 : memref<128x128xf32, #tpu.memory_space<vmem>>) offsets(%dma_start3A_49 : memref<128xi32, #tpu.memory_space<vmem>>) semaphore(%arg10 : memref<!tpu.dma_semaphore, #tpu.memory_space<semaphore_mem>>)
    %scan3A = arith.constant 0 : i32
    %scan3A_53 = arith.constant 0 : i32
    %scan3A_54 = arith.constant 50 : i32
    %scan3A_55 = arith.addi %scan3A_53, %scan3A_54 : i32
    %scan3A_56 = arith.constant 1 : i32
    scf.for %scan3A_109 = %scan3A_53 to %scan3A_55 step %scan3A_56  : i32 {
      %mul3A_110 = arith.constant 4 : i32
      %mul3A_111 = arith.muli %scan3A_109, %mul3A_110 : i32
      %add3A_112 = arith.constant 0 : i32
      %add3A_113 = arith.addi %mul3A_111, %add3A_112 : i32
      %add3A_114 = arith.constant 3 : i32
      %add3A_115 = arith.addi %add3A_113, %add3A_114 : i32
      %lt3A = arith.constant 200 : i32
      %lt3A_116 = arith.cmpi slt, %add3A_115, %lt3A : i32
      %convert_element_type3A_117 = arith.extui %lt3A_116 : i1 to i32
      %cond3A_118 = arith.constant 0 : i32
      %cond3A_119 = arith.cmpi ne, %convert_element_type3A_117, %cond3A_118 : i32
      scf.if %cond3A_119 {
        %ge3A = arith.constant 4 : i32
        %ge3A_261 = arith.cmpi sge, %add3A_115, %ge3A : i32
        %convert_element_type3A_262 = arith.extui %ge3A_261 : i1 to i32
        %cond3A_263 = arith.constant 0 : i32
        %cond3A_264 = arith.cmpi ne, %convert_element_type3A_262, %cond3A_263 : i32
        scf.if %cond3A_264 {
          %dma_wait3A_276 = arith.constant 3 : i32
          %dma_wait3A_277 = arith.constant 0 : i32
          %dma_wait3A_278 = arith.constant 0 : i32
          %dma_wait3A_279 = tpu.memref_slice %arg6[%dma_wait3A_276, %dma_wait3A_277, %dma_wait3A_278] : memref<4x128x128xf32, #tpu.memory_space<vmem>> -> memref<1x128x128xf32, #tpu.memory_space<vmem>>
          %dma_wait3A_280 = tpu.memref_squeeze %dma_wait3A_279 : memref<1x128x128xf32, #tpu.memory_space<vmem>> -> memref<128x128xf32, #tpu.memory_space<vmem>>
          %dma_wait3A_281 = arith.constant 0 : i32
          %dma_wait3A_282 = tpu.memref_slice %arg4[%mul3A_2, %dma_wait3A_281] : memref<819200x128xf32, #tpu.memory_space<hbm>> -> memref<128x128xf32, #tpu.memory_space<hbm>>
          %dma_wait3A_283 = arith.constant 0 : i32
          %dma_wait3A_284 = tpu.memref_slice %arg4[%mul3A_2, %dma_wait3A_283] : memref<819200x128xf32, #tpu.memory_space<hbm>> -> memref<128x128xf32, #tpu.memory_space<hbm>>
          %dma_wait3A_285 = arith.constant 0 : i32
          %dma_wait3A_286 = arith.constant 0 : i32
          %dma_wait3A_287 = tpu.memref_slice %arg6[%dma_wait3A_276, %dma_wait3A_285, %dma_wait3A_286] : memref<4x128x128xf32, #tpu.memory_space<vmem>> -> memref<1x128x128xf32, #tpu.memory_space<vmem>>
          %dma_wait3A_288 = tpu.memref_squeeze %dma_wait3A_287 : memref<1x128x128xf32, #tpu.memory_space<vmem>> -> memref<128x128xf32, #tpu.memory_space<vmem>>
          tpu.wait_dma2 semaphore(%arg15 : memref<!tpu.dma_semaphore, #tpu.memory_space<semaphore_mem>>) src(%dma_wait3A_288 : memref<128x128xf32, #tpu.memory_space<vmem>>) dst(%dma_wait3A_284 : memref<128x128xf32, #tpu.memory_space<hbm>>)
        } else {
        }
        %dma_start3A_265 = arith.constant 3 : i32
        %dma_start3A_266 = arith.constant 0 : i32
        %dma_start3A_267 = arith.constant 0 : i32
        %dma_start3A_268 = tpu.memref_slice %arg6[%dma_start3A_265, %dma_start3A_266, %dma_start3A_267] : memref<4x128x128xf32, #tpu.memory_space<vmem>> -> memref<1x128x128xf32, #tpu.memory_space<vmem>>
        %dma_start3A_269 = tpu.memref_squeeze %dma_start3A_268 : memref<1x128x128xf32, #tpu.memory_space<vmem>> -> memref<128x128xf32, #tpu.memory_space<vmem>>
        %dma_start3A_270 = arith.constant 0 : i32
        %dma_start3A_271 = tpu.memref_slice %arg5[%add3A_115, %dma_start3A_270] : memref<200x128xi32, #tpu.memory_space<vmem>> -> memref<1x128xi32, #tpu.memory_space<vmem>>
        %dma_start3A_272 = tpu.memref_squeeze %dma_start3A_271 : memref<1x128xi32, #tpu.memory_space<vmem>> -> memref<128xi32, #tpu.memory_space<vmem>>
        %dma_start3A_273 = arith.constant 0 : i32
        %dma_start3A_274 = arith.constant 0 : i32
        %dma_start3A_275 = tpu.memref_slice %arg7[%dma_start3A_273, %dma_start3A_274] : memref<3120x128xf32, #tpu.memory_space<vmem_shared>> -> memref<3120x128xf32, #tpu.memory_space<vmem_shared>>
        tpu.enqueue_indirect_dma source(%dma_start3A_275 : memref<3120x128xf32, #tpu.memory_space<vmem_shared>>) target(%dma_start3A_269 : memref<128x128xf32, #tpu.memory_space<vmem>>) offsets(%dma_start3A_272 : memref<128xi32, #tpu.memory_space<vmem>>) semaphore(%arg11 : memref<!tpu.dma_semaphore, #tpu.memory_space<semaphore_mem>>)
      } else {
      }
      %dma_wait3A_120 = arith.constant 0 : i32
      %dma_wait3A_121 = arith.constant 0 : i32
      %dma_wait3A_122 = arith.constant 0 : i32
      %dma_wait3A_123 = tpu.memref_slice %arg6[%dma_wait3A_120, %dma_wait3A_121, %dma_wait3A_122] : memref<4x128x128xf32, #tpu.memory_space<vmem>> -> memref<1x128x128xf32, #tpu.memory_space<vmem>>
      %dma_wait3A_124 = tpu.memref_squeeze %dma_wait3A_123 : memref<1x128x128xf32, #tpu.memory_space<vmem>> -> memref<128x128xf32, #tpu.memory_space<vmem>>
      %dma_wait3A_125 = arith.constant 0 : i32
      %dma_wait3A_126 = tpu.memref_slice %arg5[%add3A_113, %dma_wait3A_125] : memref<200x128xi32, #tpu.memory_space<vmem>> -> memref<1x128xi32, #tpu.memory_space<vmem>>
      %dma_wait3A_127 = tpu.memref_squeeze %dma_wait3A_126 : memref<1x128xi32, #tpu.memory_space<vmem>> -> memref<128xi32, #tpu.memory_space<vmem>>
      %dma_wait3A_128 = arith.constant 0 : i32
      %dma_wait3A_129 = arith.constant 0 : i32
      %dma_wait3A_130 = tpu.memref_slice %arg7[%dma_wait3A_128, %dma_wait3A_129] : memref<3120x128xf32, #tpu.memory_space<vmem_shared>> -> memref<3120x128xf32, #tpu.memory_space<vmem_shared>>
      tpu.wait_indirect_dma semaphore(%arg8 : memref<!tpu.dma_semaphore, #tpu.memory_space<semaphore_mem>>) src(%dma_wait3A_130 : memref<3120x128xf32, #tpu.memory_space<vmem_shared>>) dst(%dma_wait3A_124 : memref<128x128xf32, #tpu.memory_space<vmem>>)
      %mul3A_131 = arith.constant 128 : i32
      %mul3A_132 = arith.muli %add3A_113, %mul3A_131 : i32
      %add3A_133 = arith.addi %mul3A_2, %mul3A_132 : i32
      %dma_start3A_134 = arith.constant 0 : i32
      %dma_start3A_135 = arith.constant 0 : i32
      %dma_start3A_136 = arith.constant 0 : i32
      %dma_start3A_137 = tpu.memref_slice %arg6[%dma_start3A_134, %dma_start3A_135, %dma_start3A_136] : memref<4x128x128xf32, #tpu.memory_space<vmem>> -> memref<1x128x128xf32, #tpu.memory_space<vmem>>
      %dma_start3A_138 = tpu.memref_squeeze %dma_start3A_137 : memref<1x128x128xf32, #tpu.memory_space<vmem>> -> memref<128x128xf32, #tpu.memory_space<vmem>>
      %dma_start3A_139 = arith.constant 0 : i32
      %dma_start3A_140 = tpu.memref_slice %arg4[%add3A_133, %dma_start3A_139] : memref<819200x128xf32, #tpu.memory_space<hbm>> -> memref<128x128xf32, #tpu.memory_space<hbm>>
      %dma_start3A_141 = arith.constant 0 : i32
      %dma_start3A_142 = tpu.memref_slice %arg4[%add3A_133, %dma_start3A_141] : memref<819200x128xf32, #tpu.memory_space<hbm>> -> memref<128x128xf32, #tpu.memory_space<hbm>>
      %dma_start3A_143 = arith.constant 0 : i32
      %dma_start3A_144 = arith.constant 0 : i32
      %dma_start3A_145 = tpu.memref_slice %arg6[%dma_start3A_134, %dma_start3A_143, %dma_start3A_144] : memref<4x128x128xf32, #tpu.memory_space<vmem>> -> memref<1x128x128xf32, #tpu.memory_space<vmem>>
      %dma_start3A_146 = tpu.memref_squeeze %dma_start3A_145 : memref<1x128x128xf32, #tpu.memory_space<vmem>> -> memref<128x128xf32, #tpu.memory_space<vmem>>
      tpu.enqueue_dma source(%dma_start3A_146 : memref<128x128xf32, #tpu.memory_space<vmem>>) target(%dma_start3A_142 : memref<128x128xf32, #tpu.memory_space<hbm>>) target_semaphore(%arg12 : memref<!tpu.dma_semaphore, #tpu.memory_space<semaphore_mem>>)
      %mul3A_147 = arith.constant 4 : i32
      %mul3A_148 = arith.muli %scan3A_109, %mul3A_147 : i32
      %add3A_149 = arith.constant 1 : i32
      %add3A_150 = arith.addi %mul3A_148, %add3A_149 : i32
      %add3A_151 = arith.constant 3 : i32
      %add3A_152 = arith.addi %add3A_150, %add3A_151 : i32
      %lt3A_153 = arith.constant 200 : i32
      %lt3A_154 = arith.cmpi slt, %add3A_152, %lt3A_153 : i32
      %convert_element_type3A_155 = arith.extui %lt3A_154 : i1 to i32
      %cond3A_156 = arith.constant 0 : i32
      %cond3A_157 = arith.cmpi ne, %convert_element_type3A_155, %cond3A_156 : i32
      scf.if %cond3A_157 {
        %ge3A = arith.constant 4 : i32
        %ge3A_261 = arith.cmpi sge, %add3A_152, %ge3A : i32
        %convert_element_type3A_262 = arith.extui %ge3A_261 : i1 to i32
        %cond3A_263 = arith.constant 0 : i32
        %cond3A_264 = arith.cmpi ne, %convert_element_type3A_262, %cond3A_263 : i32
        scf.if %cond3A_264 {
          %dma_wait3A_276 = arith.constant 0 : i32
          %dma_wait3A_277 = arith.constant 0 : i32
          %dma_wait3A_278 = arith.constant 0 : i32
          %dma_wait3A_279 = tpu.memref_slice %arg6[%dma_wait3A_276, %dma_wait3A_277, %dma_wait3A_278] : memref<4x128x128xf32, #tpu.memory_space<vmem>> -> memref<1x128x128xf32, #tpu.memory_space<vmem>>
          %dma_wait3A_280 = tpu.memref_squeeze %dma_wait3A_279 : memref<1x128x128xf32, #tpu.memory_space<vmem>> -> memref<128x128xf32, #tpu.memory_space<vmem>>
          %dma_wait3A_281 = arith.constant 0 : i32
          %dma_wait3A_282 = tpu.memref_slice %arg4[%mul3A_2, %dma_wait3A_281] : memref<819200x128xf32, #tpu.memory_space<hbm>> -> memref<128x128xf32, #tpu.memory_space<hbm>>
          %dma_wait3A_283 = arith.constant 0 : i32
          %dma_wait3A_284 = tpu.memref_slice %arg4[%mul3A_2, %dma_wait3A_283] : memref<819200x128xf32, #tpu.memory_space<hbm>> -> memref<128x128xf32, #tpu.memory_space<hbm>>
          %dma_wait3A_285 = arith.constant 0 : i32
          %dma_wait3A_286 = arith.constant 0 : i32
          %dma_wait3A_287 = tpu.memref_slice %arg6[%dma_wait3A_276, %dma_wait3A_285, %dma_wait3A_286] : memref<4x128x128xf32, #tpu.memory_space<vmem>> -> memref<1x128x128xf32, #tpu.memory_space<vmem>>
          %dma_wait3A_288 = tpu.memref_squeeze %dma_wait3A_287 : memref<1x128x128xf32, #tpu.memory_space<vmem>> -> memref<128x128xf32, #tpu.memory_space<vmem>>
          tpu.wait_dma2 semaphore(%arg12 : memref<!tpu.dma_semaphore, #tpu.memory_space<semaphore_mem>>) src(%dma_wait3A_288 : memref<128x128xf32, #tpu.memory_space<vmem>>) dst(%dma_wait3A_284 : memref<128x128xf32, #tpu.memory_space<hbm>>)
        } else {
        }
        %dma_start3A_265 = arith.constant 0 : i32
        %dma_start3A_266 = arith.constant 0 : i32
        %dma_start3A_267 = arith.constant 0 : i32
        %dma_start3A_268 = tpu.memref_slice %arg6[%dma_start3A_265, %dma_start3A_266, %dma_start3A_267] : memref<4x128x128xf32, #tpu.memory_space<vmem>> -> memref<1x128x128xf32, #tpu.memory_space<vmem>>
        %dma_start3A_269 = tpu.memref_squeeze %dma_start3A_268 : memref<1x128x128xf32, #tpu.memory_space<vmem>> -> memref<128x128xf32, #tpu.memory_space<vmem>>
        %dma_start3A_270 = arith.constant 0 : i32
        %dma_start3A_271 = tpu.memref_slice %arg5[%add3A_152, %dma_start3A_270] : memref<200x128xi32, #tpu.memory_space<vmem>> -> memref<1x128xi32, #tpu.memory_space<vmem>>
        %dma_start3A_272 = tpu.memref_squeeze %dma_start3A_271 : memref<1x128xi32, #tpu.memory_space<vmem>> -> memref<128xi32, #tpu.memory_space<vmem>>
        %dma_start3A_273 = arith.constant 0 : i32
        %dma_start3A_274 = arith.constant 0 : i32
        %dma_start3A_275 = tpu.memref_slice %arg7[%dma_start3A_273, %dma_start3A_274] : memref<3120x128xf32, #tpu.memory_space<vmem_shared>> -> memref<3120x128xf32, #tpu.memory_space<vmem_shared>>
        tpu.enqueue_indirect_dma source(%dma_start3A_275 : memref<3120x128xf32, #tpu.memory_space<vmem_shared>>) target(%dma_start3A_269 : memref<128x128xf32, #tpu.memory_space<vmem>>) offsets(%dma_start3A_272 : memref<128xi32, #tpu.memory_space<vmem>>) semaphore(%arg8 : memref<!tpu.dma_semaphore, #tpu.memory_space<semaphore_mem>>)
      } else {
      }
      %dma_wait3A_158 = arith.constant 1 : i32
      %dma_wait3A_159 = arith.constant 0 : i32
      %dma_wait3A_160 = arith.constant 0 : i32
      %dma_wait3A_161 = tpu.memref_slice %arg6[%dma_wait3A_158, %dma_wait3A_159, %dma_wait3A_160] : memref<4x128x128xf32, #tpu.memory_space<vmem>> -> memref<1x128x128xf32, #tpu.memory_space<vmem>>
      %dma_wait3A_162 = tpu.memref_squeeze %dma_wait3A_161 : memref<1x128x128xf32, #tpu.memory_space<vmem>> -> memref<128x128xf32, #tpu.memory_space<vmem>>
      %dma_wait3A_163 = arith.constant 0 : i32
      %dma_wait3A_164 = tpu.memref_slice %arg5[%add3A_150, %dma_wait3A_163] : memref<200x128xi32, #tpu.memory_space<vmem>> -> memref<1x128xi32, #tpu.memory_space<vmem>>
      %dma_wait3A_165 = tpu.memref_squeeze %dma_wait3A_164 : memref<1x128xi32, #tpu.memory_space<vmem>> -> memref<128xi32, #tpu.memory_space<vmem>>
      %dma_wait3A_166 = arith.constant 0 : i32
      %dma_wait3A_167 = arith.constant 0 : i32
      %dma_wait3A_168 = tpu.memref_slice %arg7[%dma_wait3A_166, %dma_wait3A_167] : memref<3120x128xf32, #tpu.memory_space<vmem_shared>> -> memref<3120x128xf32, #tpu.memory_space<vmem_shared>>
      tpu.wait_indirect_dma semaphore(%arg9 : memref<!tpu.dma_semaphore, #tpu.memory_space<semaphore_mem>>) src(%dma_wait3A_168 : memref<3120x128xf32, #tpu.memory_space<vmem_shared>>) dst(%dma_wait3A_162 : memref<128x128xf32, #tpu.memory_space<vmem>>)
      %mul3A_169 = arith.constant 128 : i32
      %mul3A_170 = arith.muli %add3A_150, %mul3A_169 : i32
      %add3A_171 = arith.addi %mul3A_2, %mul3A_170 : i32
      %dma_start3A_172 = arith.constant 1 : i32
      %dma_start3A_173 = arith.constant 0 : i32
      %dma_start3A_174 = arith.constant 0 : i32
      %dma_start3A_175 = tpu.memref_slice %arg6[%dma_start3A_172, %dma_start3A_173, %dma_start3A_174] : memref<4x128x128xf32, #tpu.memory_space<vmem>> -> memref<1x128x128xf32, #tpu.memory_space<vmem>>
      %dma_start3A_176 = tpu.memref_squeeze %dma_start3A_175 : memref<1x128x128xf32, #tpu.memory_space<vmem>> -> memref<128x128xf32, #tpu.memory_space<vmem>>
      %dma_start3A_177 = arith.constant 0 : i32
      %dma_start3A_178 = tpu.memref_slice %arg4[%add3A_171, %dma_start3A_177] : memref<819200x128xf32, #tpu.memory_space<hbm>> -> memref<128x128xf32, #tpu.memory_space<hbm>>
      %dma_start3A_179 = arith.constant 0 : i32
      %dma_start3A_180 = tpu.memref_slice %arg4[%add3A_171, %dma_start3A_179] : memref<819200x128xf32, #tpu.memory_space<hbm>> -> memref<128x128xf32, #tpu.memory_space<hbm>>
      %dma_start3A_181 = arith.constant 0 : i32
      %dma_start3A_182 = arith.constant 0 : i32
      %dma_start3A_183 = tpu.memref_slice %arg6[%dma_start3A_172, %dma_start3A_181, %dma_start3A_182] : memref<4x128x128xf32, #tpu.memory_space<vmem>> -> memref<1x128x128xf32, #tpu.memory_space<vmem>>
      %dma_start3A_184 = tpu.memref_squeeze %dma_start3A_183 : memref<1x128x128xf32, #tpu.memory_space<vmem>> -> memref<128x128xf32, #tpu.memory_space<vmem>>
      tpu.enqueue_dma source(%dma_start3A_184 : memref<128x128xf32, #tpu.memory_space<vmem>>) target(%dma_start3A_180 : memref<128x128xf32, #tpu.memory_space<hbm>>) target_semaphore(%arg13 : memref<!tpu.dma_semaphore, #tpu.memory_space<semaphore_mem>>)
      %mul3A_185 = arith.constant 4 : i32
      %mul3A_186 = arith.muli %scan3A_109, %mul3A_185 : i32
      %add3A_187 = arith.constant 2 : i32
      %add3A_188 = arith.addi %mul3A_186, %add3A_187 : i32
      %add3A_189 = arith.constant 3 : i32
      %add3A_190 = arith.addi %add3A_188, %add3A_189 : i32
      %lt3A_191 = arith.constant 200 : i32
      %lt3A_192 = arith.cmpi slt, %add3A_190, %lt3A_191 : i32
      %convert_element_type3A_193 = arith.extui %lt3A_192 : i1 to i32
      %cond3A_194 = arith.constant 0 : i32
      %cond3A_195 = arith.cmpi ne, %convert_element_type3A_193, %cond3A_194 : i32
      scf.if %cond3A_195 {
        %ge3A = arith.constant 4 : i32
        %ge3A_261 = arith.cmpi sge, %add3A_190, %ge3A : i32
        %convert_element_type3A_262 = arith.extui %ge3A_261 : i1 to i32
        %cond3A_263 = arith.constant 0 : i32
        %cond3A_264 = arith.cmpi ne, %convert_element_type3A_262, %cond3A_263 : i32
        scf.if %cond3A_264 {
          %dma_wait3A_276 = arith.constant 1 : i32
          %dma_wait3A_277 = arith.constant 0 : i32
          %dma_wait3A_278 = arith.constant 0 : i32
          %dma_wait3A_279 = tpu.memref_slice %arg6[%dma_wait3A_276, %dma_wait3A_277, %dma_wait3A_278] : memref<4x128x128xf32, #tpu.memory_space<vmem>> -> memref<1x128x128xf32, #tpu.memory_space<vmem>>
          %dma_wait3A_280 = tpu.memref_squeeze %dma_wait3A_279 : memref<1x128x128xf32, #tpu.memory_space<vmem>> -> memref<128x128xf32, #tpu.memory_space<vmem>>
          %dma_wait3A_281 = arith.constant 0 : i32
          %dma_wait3A_282 = tpu.memref_slice %arg4[%mul3A_2, %dma_wait3A_281] : memref<819200x128xf32, #tpu.memory_space<hbm>> -> memref<128x128xf32, #tpu.memory_space<hbm>>
          %dma_wait3A_283 = arith.constant 0 : i32
          %dma_wait3A_284 = tpu.memref_slice %arg4[%mul3A_2, %dma_wait3A_283] : memref<819200x128xf32, #tpu.memory_space<hbm>> -> memref<128x128xf32, #tpu.memory_space<hbm>>
          %dma_wait3A_285 = arith.constant 0 : i32
          %dma_wait3A_286 = arith.constant 0 : i32
          %dma_wait3A_287 = tpu.memref_slice %arg6[%dma_wait3A_276, %dma_wait3A_285, %dma_wait3A_286] : memref<4x128x128xf32, #tpu.memory_space<vmem>> -> memref<1x128x128xf32, #tpu.memory_space<vmem>>
          %dma_wait3A_288 = tpu.memref_squeeze %dma_wait3A_287 : memref<1x128x128xf32, #tpu.memory_space<vmem>> -> memref<128x128xf32, #tpu.memory_space<vmem>>
          tpu.wait_dma2 semaphore(%arg13 : memref<!tpu.dma_semaphore, #tpu.memory_space<semaphore_mem>>) src(%dma_wait3A_288 : memref<128x128xf32, #tpu.memory_space<vmem>>) dst(%dma_wait3A_284 : memref<128x128xf32, #tpu.memory_space<hbm>>)
        } else {
        }
        %dma_start3A_265 = arith.constant 1 : i32
        %dma_start3A_266 = arith.constant 0 : i32
        %dma_start3A_267 = arith.constant 0 : i32
        %dma_start3A_268 = tpu.memref_slice %arg6[%dma_start3A_265, %dma_start3A_266, %dma_start3A_267] : memref<4x128x128xf32, #tpu.memory_space<vmem>> -> memref<1x128x128xf32, #tpu.memory_space<vmem>>
        %dma_start3A_269 = tpu.memref_squeeze %dma_start3A_268 : memref<1x128x128xf32, #tpu.memory_space<vmem>> -> memref<128x128xf32, #tpu.memory_space<vmem>>
        %dma_start3A_270 = arith.constant 0 : i32
        %dma_start3A_271 = tpu.memref_slice %arg5[%add3A_190, %dma_start3A_270] : memref<200x128xi32, #tpu.memory_space<vmem>> -> memref<1x128xi32, #tpu.memory_space<vmem>>
        %dma_start3A_272 = tpu.memref_squeeze %dma_start3A_271 : memref<1x128xi32, #tpu.memory_space<vmem>> -> memref<128xi32, #tpu.memory_space<vmem>>
        %dma_start3A_273 = arith.constant 0 : i32
        %dma_start3A_274 = arith.constant 0 : i32
        %dma_start3A_275 = tpu.memref_slice %arg7[%dma_start3A_273, %dma_start3A_274] : memref<3120x128xf32, #tpu.memory_space<vmem_shared>> -> memref<3120x128xf32, #tpu.memory_space<vmem_shared>>
        tpu.enqueue_indirect_dma source(%dma_start3A_275 : memref<3120x128xf32, #tpu.memory_space<vmem_shared>>) target(%dma_start3A_269 : memref<128x128xf32, #tpu.memory_space<vmem>>) offsets(%dma_start3A_272 : memref<128xi32, #tpu.memory_space<vmem>>) semaphore(%arg9 : memref<!tpu.dma_semaphore, #tpu.memory_space<semaphore_mem>>)
      } else {
      }
      %dma_wait3A_196 = arith.constant 2 : i32
      %dma_wait3A_197 = arith.constant 0 : i32
      %dma_wait3A_198 = arith.constant 0 : i32
      %dma_wait3A_199 = tpu.memref_slice %arg6[%dma_wait3A_196, %dma_wait3A_197, %dma_wait3A_198] : memref<4x128x128xf32, #tpu.memory_space<vmem>> -> memref<1x128x128xf32, #tpu.memory_space<vmem>>
      %dma_wait3A_200 = tpu.memref_squeeze %dma_wait3A_199 : memref<1x128x128xf32, #tpu.memory_space<vmem>> -> memref<128x128xf32, #tpu.memory_space<vmem>>
      %dma_wait3A_201 = arith.constant 0 : i32
      %dma_wait3A_202 = tpu.memref_slice %arg5[%add3A_188, %dma_wait3A_201] : memref<200x128xi32, #tpu.memory_space<vmem>> -> memref<1x128xi32, #tpu.memory_space<vmem>>
      %dma_wait3A_203 = tpu.memref_squeeze %dma_wait3A_202 : memref<1x128xi32, #tpu.memory_space<vmem>> -> memref<128xi32, #tpu.memory_space<vmem>>
      %dma_wait3A_204 = arith.constant 0 : i32
      %dma_wait3A_205 = arith.constant 0 : i32
      %dma_wait3A_206 = tpu.memref_slice %arg7[%dma_wait3A_204, %dma_wait3A_205] : memref<3120x128xf32, #tpu.memory_space<vmem_shared>> -> memref<3120x128xf32, #tpu.memory_space<vmem_shared>>
      tpu.wait_indirect_dma semaphore(%arg10 : memref<!tpu.dma_semaphore, #tpu.memory_space<semaphore_mem>>) src(%dma_wait3A_206 : memref<3120x128xf32, #tpu.memory_space<vmem_shared>>) dst(%dma_wait3A_200 : memref<128x128xf32, #tpu.memory_space<vmem>>)
      %mul3A_207 = arith.constant 128 : i32
      %mul3A_208 = arith.muli %add3A_188, %mul3A_207 : i32
      %add3A_209 = arith.addi %mul3A_2, %mul3A_208 : i32
      %dma_start3A_210 = arith.constant 2 : i32
      %dma_start3A_211 = arith.constant 0 : i32
      %dma_start3A_212 = arith.constant 0 : i32
      %dma_start3A_213 = tpu.memref_slice %arg6[%dma_start3A_210, %dma_start3A_211, %dma_start3A_212] : memref<4x128x128xf32, #tpu.memory_space<vmem>> -> memref<1x128x128xf32, #tpu.memory_space<vmem>>
      %dma_start3A_214 = tpu.memref_squeeze %dma_start3A_213 : memref<1x128x128xf32, #tpu.memory_space<vmem>> -> memref<128x128xf32, #tpu.memory_space<vmem>>
      %dma_start3A_215 = arith.constant 0 : i32
      %dma_start3A_216 = tpu.memref_slice %arg4[%add3A_209, %dma_start3A_215] : memref<819200x128xf32, #tpu.memory_space<hbm>> -> memref<128x128xf32, #tpu.memory_space<hbm>>
      %dma_start3A_217 = arith.constant 0 : i32
      %dma_start3A_218 = tpu.memref_slice %arg4[%add3A_209, %dma_start3A_217] : memref<819200x128xf32, #tpu.memory_space<hbm>> -> memref<128x128xf32, #tpu.memory_space<hbm>>
      %dma_start3A_219 = arith.constant 0 : i32
      %dma_start3A_220 = arith.constant 0 : i32
      %dma_start3A_221 = tpu.memref_slice %arg6[%dma_start3A_210, %dma_start3A_219, %dma_start3A_220] : memref<4x128x128xf32, #tpu.memory_space<vmem>> -> memref<1x128x128xf32, #tpu.memory_space<vmem>>
      %dma_start3A_222 = tpu.memref_squeeze %dma_start3A_221 : memref<1x128x128xf32, #tpu.memory_space<vmem>> -> memref<128x128xf32, #tpu.memory_space<vmem>>
      tpu.enqueue_dma source(%dma_start3A_222 : memref<128x128xf32, #tpu.memory_space<vmem>>) target(%dma_start3A_218 : memref<128x128xf32, #tpu.memory_space<hbm>>) target_semaphore(%arg14 : memref<!tpu.dma_semaphore, #tpu.memory_space<semaphore_mem>>)
      %mul3A_223 = arith.constant 4 : i32
      %mul3A_224 = arith.muli %scan3A_109, %mul3A_223 : i32
      %add3A_225 = arith.constant 3 : i32
      %add3A_226 = arith.addi %mul3A_224, %add3A_225 : i32
      %add3A_227 = arith.constant 3 : i32
      %add3A_228 = arith.addi %add3A_226, %add3A_227 : i32
      %lt3A_229 = arith.constant 200 : i32
      %lt3A_230 = arith.cmpi slt, %add3A_228, %lt3A_229 : i32
      %convert_element_type3A_231 = arith.extui %lt3A_230 : i1 to i32
      %cond3A_232 = arith.constant 0 : i32
      %cond3A_233 = arith.cmpi ne, %convert_element_type3A_231, %cond3A_232 : i32
      scf.if %cond3A_233 {
        %ge3A = arith.constant 4 : i32
        %ge3A_261 = arith.cmpi sge, %add3A_228, %ge3A : i32
        %convert_element_type3A_262 = arith.extui %ge3A_261 : i1 to i32
        %cond3A_263 = arith.constant 0 : i32
        %cond3A_264 = arith.cmpi ne, %convert_element_type3A_262, %cond3A_263 : i32
        scf.if %cond3A_264 {
          %dma_wait3A_276 = arith.constant 2 : i32
          %dma_wait3A_277 = arith.constant 0 : i32
          %dma_wait3A_278 = arith.constant 0 : i32
          %dma_wait3A_279 = tpu.memref_slice %arg6[%dma_wait3A_276, %dma_wait3A_277, %dma_wait3A_278] : memref<4x128x128xf32, #tpu.memory_space<vmem>> -> memref<1x128x128xf32, #tpu.memory_space<vmem>>
          %dma_wait3A_280 = tpu.memref_squeeze %dma_wait3A_279 : memref<1x128x128xf32, #tpu.memory_space<vmem>> -> memref<128x128xf32, #tpu.memory_space<vmem>>
          %dma_wait3A_281 = arith.constant 0 : i32
          %dma_wait3A_282 = tpu.memref_slice %arg4[%mul3A_2, %dma_wait3A_281] : memref<819200x128xf32, #tpu.memory_space<hbm>> -> memref<128x128xf32, #tpu.memory_space<hbm>>
          %dma_wait3A_283 = arith.constant 0 : i32
          %dma_wait3A_284 = tpu.memref_slice %arg4[%mul3A_2, %dma_wait3A_283] : memref<819200x128xf32, #tpu.memory_space<hbm>> -> memref<128x128xf32, #tpu.memory_space<hbm>>
          %dma_wait3A_285 = arith.constant 0 : i32
          %dma_wait3A_286 = arith.constant 0 : i32
          %dma_wait3A_287 = tpu.memref_slice %arg6[%dma_wait3A_276, %dma_wait3A_285, %dma_wait3A_286] : memref<4x128x128xf32, #tpu.memory_space<vmem>> -> memref<1x128x128xf32, #tpu.memory_space<vmem>>
          %dma_wait3A_288 = tpu.memref_squeeze %dma_wait3A_287 : memref<1x128x128xf32, #tpu.memory_space<vmem>> -> memref<128x128xf32, #tpu.memory_space<vmem>>
          tpu.wait_dma2 semaphore(%arg14 : memref<!tpu.dma_semaphore, #tpu.memory_space<semaphore_mem>>) src(%dma_wait3A_288 : memref<128x128xf32, #tpu.memory_space<vmem>>) dst(%dma_wait3A_284 : memref<128x128xf32, #tpu.memory_space<hbm>>)
        } else {
        }
        %dma_start3A_265 = arith.constant 2 : i32
        %dma_start3A_266 = arith.constant 0 : i32
        %dma_start3A_267 = arith.constant 0 : i32
        %dma_start3A_268 = tpu.memref_slice %arg6[%dma_start3A_265, %dma_start3A_266, %dma_start3A_267] : memref<4x128x128xf32, #tpu.memory_space<vmem>> -> memref<1x128x128xf32, #tpu.memory_space<vmem>>
        %dma_start3A_269 = tpu.memref_squeeze %dma_start3A_268 : memref<1x128x128xf32, #tpu.memory_space<vmem>> -> memref<128x128xf32, #tpu.memory_space<vmem>>
        %dma_start3A_270 = arith.constant 0 : i32
        %dma_start3A_271 = tpu.memref_slice %arg5[%add3A_228, %dma_start3A_270] : memref<200x128xi32, #tpu.memory_space<vmem>> -> memref<1x128xi32, #tpu.memory_space<vmem>>
        %dma_start3A_272 = tpu.memref_squeeze %dma_start3A_271 : memref<1x128xi32, #tpu.memory_space<vmem>> -> memref<128xi32, #tpu.memory_space<vmem>>
        %dma_start3A_273 = arith.constant 0 : i32
        %dma_start3A_274 = arith.constant 0 : i32
        %dma_start3A_275 = tpu.memref_slice %arg7[%dma_start3A_273, %dma_start3A_274] : memref<3120x128xf32, #tpu.memory_space<vmem_shared>> -> memref<3120x128xf32, #tpu.memory_space<vmem_shared>>
        tpu.enqueue_indirect_dma source(%dma_start3A_275 : memref<3120x128xf32, #tpu.memory_space<vmem_shared>>) target(%dma_start3A_269 : memref<128x128xf32, #tpu.memory_space<vmem>>) offsets(%dma_start3A_272 : memref<128xi32, #tpu.memory_space<vmem>>) semaphore(%arg10 : memref<!tpu.dma_semaphore, #tpu.memory_space<semaphore_mem>>)
      } else {
      }
      %dma_wait3A_234 = arith.constant 3 : i32
      %dma_wait3A_235 = arith.constant 0 : i32
      %dma_wait3A_236 = arith.constant 0 : i32
      %dma_wait3A_237 = tpu.memref_slice %arg6[%dma_wait3A_234, %dma_wait3A_235, %dma_wait3A_236] : memref<4x128x128xf32, #tpu.memory_space<vmem>> -> memref<1x128x128xf32, #tpu.memory_space<vmem>>
      %dma_wait3A_238 = tpu.memref_squeeze %dma_wait3A_237 : memref<1x128x128xf32, #tpu.memory_space<vmem>> -> memref<128x128xf32, #tpu.memory_space<vmem>>
      %dma_wait3A_239 = arith.constant 0 : i32
      %dma_wait3A_240 = tpu.memref_slice %arg5[%add3A_226, %dma_wait3A_239] : memref<200x128xi32, #tpu.memory_space<vmem>> -> memref<1x128xi32, #tpu.memory_space<vmem>>
      %dma_wait3A_241 = tpu.memref_squeeze %dma_wait3A_240 : memref<1x128xi32, #tpu.memory_space<vmem>> -> memref<128xi32, #tpu.memory_space<vmem>>
      %dma_wait3A_242 = arith.constant 0 : i32
      %dma_wait3A_243 = arith.constant 0 : i32
      %dma_wait3A_244 = tpu.memref_slice %arg7[%dma_wait3A_242, %dma_wait3A_243] : memref<3120x128xf32, #tpu.memory_space<vmem_shared>> -> memref<3120x128xf32, #tpu.memory_space<vmem_shared>>
      tpu.wait_indirect_dma semaphore(%arg11 : memref<!tpu.dma_semaphore, #tpu.memory_space<semaphore_mem>>) src(%dma_wait3A_244 : memref<3120x128xf32, #tpu.memory_space<vmem_shared>>) dst(%dma_wait3A_238 : memref<128x128xf32, #tpu.memory_space<vmem>>)
      %mul3A_245 = arith.constant 128 : i32
      %mul3A_246 = arith.muli %add3A_226, %mul3A_245 : i32
      %add3A_247 = arith.addi %mul3A_2, %mul3A_246 : i32
      %dma_start3A_248 = arith.constant 3 : i32
      %dma_start3A_249 = arith.constant 0 : i32
      %dma_start3A_250 = arith.constant 0 : i32
      %dma_start3A_251 = tpu.memref_slice %arg6[%dma_start3A_248, %dma_start3A_249, %dma_start3A_250] : memref<4x128x128xf32, #tpu.memory_space<vmem>> -> memref<1x128x128xf32, #tpu.memory_space<vmem>>
      %dma_start3A_252 = tpu.memref_squeeze %dma_start3A_251 : memref<1x128x128xf32, #tpu.memory_space<vmem>> -> memref<128x128xf32, #tpu.memory_space<vmem>>
      %dma_start3A_253 = arith.constant 0 : i32
      %dma_start3A_254 = tpu.memref_slice %arg4[%add3A_247, %dma_start3A_253] : memref<819200x128xf32, #tpu.memory_space<hbm>> -> memref<128x128xf32, #tpu.memory_space<hbm>>
      %dma_start3A_255 = arith.constant 0 : i32
      %dma_start3A_256 = tpu.memref_slice %arg4[%add3A_247, %dma_start3A_255] : memref<819200x128xf32, #tpu.memory_space<hbm>> -> memref<128x128xf32, #tpu.memory_space<hbm>>
      %dma_start3A_257 = arith.constant 0 : i32
      %dma_start3A_258 = arith.constant 0 : i32
      %dma_start3A_259 = tpu.memref_slice %arg6[%dma_start3A_248, %dma_start3A_257, %dma_start3A_258] : memref<4x128x128xf32, #tpu.memory_space<vmem>> -> memref<1x128x128xf32, #tpu.memory_space<vmem>>
      %dma_start3A_260 = tpu.memref_squeeze %dma_start3A_259 : memref<1x128x128xf32, #tpu.memory_space<vmem>> -> memref<128x128xf32, #tpu.memory_space<vmem>>
      tpu.enqueue_dma source(%dma_start3A_260 : memref<128x128xf32, #tpu.memory_space<vmem>>) target(%dma_start3A_256 : memref<128x128xf32, #tpu.memory_space<hbm>>) target_semaphore(%arg15 : memref<!tpu.dma_semaphore, #tpu.memory_space<semaphore_mem>>)
    }
    %scan3A_57 = arith.constant 50 : i32
    %dma_wait3A = arith.constant 0 : i32
    %dma_wait3A_58 = arith.constant 0 : i32
    %dma_wait3A_59 = arith.constant 0 : i32
    %dma_wait3A_60 = tpu.memref_slice %arg6[%dma_wait3A, %dma_wait3A_58, %dma_wait3A_59] : memref<4x128x128xf32, #tpu.memory_space<vmem>> -> memref<1x128x128xf32, #tpu.memory_space<vmem>>
    %dma_wait3A_61 = tpu.memref_squeeze %dma_wait3A_60 : memref<1x128x128xf32, #tpu.memory_space<vmem>> -> memref<128x128xf32, #tpu.memory_space<vmem>>
    %dma_wait3A_62 = arith.constant 0 : i32
    %dma_wait3A_63 = tpu.memref_slice %arg4[%mul3A_2, %dma_wait3A_62] : memref<819200x128xf32, #tpu.memory_space<hbm>> -> memref<128x128xf32, #tpu.memory_space<hbm>>
    %dma_wait3A_64 = arith.constant 0 : i32
    %dma_wait3A_65 = tpu.memref_slice %arg4[%mul3A_2, %dma_wait3A_64] : memref<819200x128xf32, #tpu.memory_space<hbm>> -> memref<128x128xf32, #tpu.memory_space<hbm>>
    %dma_wait3A_66 = arith.constant 0 : i32
    %dma_wait3A_67 = arith.constant 0 : i32
    %dma_wait3A_68 = tpu.memref_slice %arg6[%dma_wait3A, %dma_wait3A_66, %dma_wait3A_67] : memref<4x128x128xf32, #tpu.memory_space<vmem>> -> memref<1x128x128xf32, #tpu.memory_space<vmem>>
    %dma_wait3A_69 = tpu.memref_squeeze %dma_wait3A_68 : memref<1x128x128xf32, #tpu.memory_space<vmem>> -> memref<128x128xf32, #tpu.memory_space<vmem>>
    tpu.wait_dma2 semaphore(%arg12 : memref<!tpu.dma_semaphore, #tpu.memory_space<semaphore_mem>>) src(%dma_wait3A_69 : memref<128x128xf32, #tpu.memory_space<vmem>>) dst(%dma_wait3A_65 : memref<128x128xf32, #tpu.memory_space<hbm>>)
    %dma_wait3A_70 = arith.constant 1 : i32
    %dma_wait3A_71 = arith.constant 0 : i32
    %dma_wait3A_72 = arith.constant 0 : i32
    %dma_wait3A_73 = tpu.memref_slice %arg6[%dma_wait3A_70, %dma_wait3A_71, %dma_wait3A_72] : memref<4x128x128xf32, #tpu.memory_space<vmem>> -> memref<1x128x128xf32, #tpu.memory_space<vmem>>
    %dma_wait3A_74 = tpu.memref_squeeze %dma_wait3A_73 : memref<1x128x128xf32, #tpu.memory_space<vmem>> -> memref<128x128xf32, #tpu.memory_space<vmem>>
    %dma_wait3A_75 = arith.constant 0 : i32
    %dma_wait3A_76 = tpu.memref_slice %arg4[%mul3A_2, %dma_wait3A_75] : memref<819200x128xf32, #tpu.memory_space<hbm>> -> memref<128x128xf32, #tpu.memory_space<hbm>>
    %dma_wait3A_77 = arith.constant 0 : i32
    %dma_wait3A_78 = tpu.memref_slice %arg4[%mul3A_2, %dma_wait3A_77] : memref<819200x128xf32, #tpu.memory_space<hbm>> -> memref<128x128xf32, #tpu.memory_space<hbm>>
    %dma_wait3A_79 = arith.constant 0 : i32
    %dma_wait3A_80 = arith.constant 0 : i32
    %dma_wait3A_81 = tpu.memref_slice %arg6[%dma_wait3A_70, %dma_wait3A_79, %dma_wait3A_80] : memref<4x128x128xf32, #tpu.memory_space<vmem>> -> memref<1x128x128xf32, #tpu.memory_space<vmem>>
    %dma_wait3A_82 = tpu.memref_squeeze %dma_wait3A_81 : memref<1x128x128xf32, #tpu.memory_space<vmem>> -> memref<128x128xf32, #tpu.memory_space<vmem>>
    tpu.wait_dma2 semaphore(%arg13 : memref<!tpu.dma_semaphore, #tpu.memory_space<semaphore_mem>>) src(%dma_wait3A_82 : memref<128x128xf32, #tpu.memory_space<vmem>>) dst(%dma_wait3A_78 : memref<128x128xf32, #tpu.memory_space<hbm>>)
    %dma_wait3A_83 = arith.constant 2 : i32
    %dma_wait3A_84 = arith.constant 0 : i32
    %dma_wait3A_85 = arith.constant 0 : i32
    %dma_wait3A_86 = tpu.memref_slice %arg6[%dma_wait3A_83, %dma_wait3A_84, %dma_wait3A_85] : memref<4x128x128xf32, #tpu.memory_space<vmem>> -> memref<1x128x128xf32, #tpu.memory_space<vmem>>
    %dma_wait3A_87 = tpu.memref_squeeze %dma_wait3A_86 : memref<1x128x128xf32, #tpu.memory_space<vmem>> -> memref<128x128xf32, #tpu.memory_space<vmem>>
    %dma_wait3A_88 = arith.constant 0 : i32
    %dma_wait3A_89 = tpu.memref_slice %arg4[%mul3A_2, %dma_wait3A_88] : memref<819200x128xf32, #tpu.memory_space<hbm>> -> memref<128x128xf32, #tpu.memory_space<hbm>>
    %dma_wait3A_90 = arith.constant 0 : i32
    %dma_wait3A_91 = tpu.memref_slice %arg4[%mul3A_2, %dma_wait3A_90] : memref<819200x128xf32, #tpu.memory_space<hbm>> -> memref<128x128xf32, #tpu.memory_space<hbm>>
    %dma_wait3A_92 = arith.constant 0 : i32
    %dma_wait3A_93 = arith.constant 0 : i32
    %dma_wait3A_94 = tpu.memref_slice %arg6[%dma_wait3A_83, %dma_wait3A_92, %dma_wait3A_93] : memref<4x128x128xf32, #tpu.memory_space<vmem>> -> memref<1x128x128xf32, #tpu.memory_space<vmem>>
    %dma_wait3A_95 = tpu.memref_squeeze %dma_wait3A_94 : memref<1x128x128xf32, #tpu.memory_space<vmem>> -> memref<128x128xf32, #tpu.memory_space<vmem>>
    tpu.wait_dma2 semaphore(%arg14 : memref<!tpu.dma_semaphore, #tpu.memory_space<semaphore_mem>>) src(%dma_wait3A_95 : memref<128x128xf32, #tpu.memory_space<vmem>>) dst(%dma_wait3A_91 : memref<128x128xf32, #tpu.memory_space<hbm>>)
    %dma_wait3A_96 = arith.constant 3 : i32
    %dma_wait3A_97 = arith.constant 0 : i32
    %dma_wait3A_98 = arith.constant 0 : i32
    %dma_wait3A_99 = tpu.memref_slice %arg6[%dma_wait3A_96, %dma_wait3A_97, %dma_wait3A_98] : memref<4x128x128xf32, #tpu.memory_space<vmem>> -> memref<1x128x128xf32, #tpu.memory_space<vmem>>
    %dma_wait3A_100 = tpu.memref_squeeze %dma_wait3A_99 : memref<1x128x128xf32, #tpu.memory_space<vmem>> -> memref<128x128xf32, #tpu.memory_space<vmem>>
    %dma_wait3A_101 = arith.constant 0 : i32
    %dma_wait3A_102 = tpu.memref_slice %arg4[%mul3A_2, %dma_wait3A_101] : memref<819200x128xf32, #tpu.memory_space<hbm>> -> memref<128x128xf32, #tpu.memory_space<hbm>>
    %dma_wait3A_103 = arith.constant 0 : i32
    %dma_wait3A_104 = tpu.memref_slice %arg4[%mul3A_2, %dma_wait3A_103] : memref<819200x128xf32, #tpu.memory_space<hbm>> -> memref<128x128xf32, #tpu.memory_space<hbm>>
    %dma_wait3A_105 = arith.constant 0 : i32
    %dma_wait3A_106 = arith.constant 0 : i32
    %dma_wait3A_107 = tpu.memref_slice %arg6[%dma_wait3A_96, %dma_wait3A_105, %dma_wait3A_106] : memref<4x128x128xf32, #tpu.memory_space<vmem>> -> memref<1x128x128xf32, #tpu.memory_space<vmem>>
    %dma_wait3A_108 = tpu.memref_squeeze %dma_wait3A_107 : memref<1x128x128xf32, #tpu.memory_space<vmem>> -> memref<128x128xf32, #tpu.memory_space<vmem>>
    tpu.wait_dma2 semaphore(%arg15 : memref<!tpu.dma_semaphore, #tpu.memory_space<semaphore_mem>>) src(%dma_wait3A_108 : memref<128x128xf32, #tpu.memory_space<vmem>>) dst(%dma_wait3A_104 : memref<128x128xf32, #tpu.memory_space<hbm>>)
    return
  }
}

module attributes {stable_mosaic.version = 14 : i64} {
  func.func @_prep_body(%arg0: i32, %arg1: memref<50x1024xi32, #tpu.memory_space<vmem>>, %arg2: memref<50x1024xi32, #tpu.memory_space<vmem>>, %arg3: memref<50x1024xi32, #tpu.memory_space<vmem>>, %arg4: memref<50x1024xi32, #tpu.memory_space<vmem>>, %arg5: memref<48x128xf32, #tpu.memory_space<vmem>>, %arg6: memref<50x8x128xi32, #tpu.memory_space<vmem>>, %arg7: memref<3120x128xf32, #tpu.memory_space<vmem>>) attributes {dimension_semantics = [#tpu.dimension_semantics<arbitrary>], iteration_bounds = array<i64: 16>, scalar_prefetch = 0 : i64, scratch_operands = 0 : i64, tpu.core_type = #tpu.core_type<tc>, window_params = [{transform_indices = @transform_0, window_bounds = array<i64: 50, 1024>}, {transform_indices = @transform_1, window_bounds = array<i64: 50, 1024>}, {transform_indices = @transform_2, window_bounds = array<i64: 50, 1024>}, {transform_indices = @transform_3, window_bounds = array<i64: 50, 1024>}, {pipeline_mode = #tpu.pipeline_mode<synchronous>, transform_indices = @transform_4, window_bounds = array<i64: 48, 128>}, {transform_indices = @transform_5, window_bounds = array<i64: 50, 8, 128>}, {pipeline_mode = #tpu.pipeline_mode<synchronous>, transform_indices = @transform_6, window_bounds = array<i64: 3120, 128>}]} {
    %get3A = arith.constant 0 : index
    %get3A_0 = arith.constant 0 : index
    %get3A_1 = vector.load %arg1[%get3A, %get3A_0] : memref<50x1024xi32, #tpu.memory_space<vmem>>, vector<50x1024xi32>
    %mul3A = arith.constant 60 : i32
    %mul3A_2 = vector.broadcast %mul3A : i32 to vector<50x1024xi32>
    %mul3A_3 = arith.muli %get3A_1, %mul3A_2 : vector<50x1024xi32>
    %get3A_4 = arith.constant 0 : index
    %get3A_5 = arith.constant 0 : index
    %get3A_6 = vector.load %arg2[%get3A_4, %get3A_5] : memref<50x1024xi32, #tpu.memory_space<vmem>>, vector<50x1024xi32>
    %mul3A_7 = arith.constant 15 : i32
    %mul3A_8 = vector.broadcast %mul3A_7 : i32 to vector<50x1024xi32>
    %mul3A_9 = arith.muli %get3A_6, %mul3A_8 : vector<50x1024xi32>
    %add3A = arith.addi %mul3A_3, %mul3A_9 : vector<50x1024xi32>
    %get3A_10 = arith.constant 0 : index
    %get3A_11 = arith.constant 0 : index
    %get3A_12 = vector.load %arg3[%get3A_10, %get3A_11] : memref<50x1024xi32, #tpu.memory_space<vmem>>, vector<50x1024xi32>
    %mul3A_13 = arith.constant 5 : i32
    %mul3A_14 = vector.broadcast %mul3A_13 : i32 to vector<50x1024xi32>
    %mul3A_15 = arith.muli %get3A_12, %mul3A_14 : vector<50x1024xi32>
    %add3A_16 = arith.addi %add3A, %mul3A_15 : vector<50x1024xi32>
    %get3A_17 = arith.constant 0 : index
    %get3A_18 = arith.constant 0 : index
    %get3A_19 = vector.load %arg4[%get3A_17, %get3A_18] : memref<50x1024xi32, #tpu.memory_space<vmem>>, vector<50x1024xi32>
    %add3A_20 = arith.addi %add3A_16, %get3A_19 : vector<50x1024xi32>
    %reshape3A = vector.shape_cast %add3A_20 : vector<50x1024xi32> to vector<50x8x128xi32>
    %swap3A = arith.constant 0 : index
    %swap3A_21 = arith.constant 0 : index
    %swap3A_22 = arith.constant 0 : index
    %swap3A_23 = vector.load %arg6[%swap3A, %swap3A_21, %swap3A_22] : memref<50x8x128xi32, #tpu.memory_space<vmem>>, vector<50x8x128xi32>
    tpu.vector_store %arg6[%swap3A, %swap3A_21, %swap3A_22], %reshape3A {strides = array<i32>} : memref<50x8x128xi32, #tpu.memory_space<vmem>>, vector<50x8x128xi32>,
    %eq3A = arith.constant 0 : i32
    %eq3A_24 = arith.cmpi eq, %arg0, %eq3A : i32
    %convert_element_type3A = arith.extui %eq3A_24 : i1 to i32
    %cond3A = arith.constant 0 : i32
    %cond3A_25 = arith.cmpi ne, %convert_element_type3A, %cond3A : i32
    scf.if %cond3A_25 {
      %iota3A = tpu.iota {dimensions = array<i32: 0>} : vector<3120x1xi32>
      %jit3A = arith.constant 60 : i32
      %div3A = vector.broadcast %jit3A : i32 to vector<3120x1xi32>
      %div3A_26 = arith.divsi %iota3A, %div3A : vector<3120x1xi32>
      %sign3A = arith.constant 0 : i32
      %sign3A_27 = vector.broadcast %sign3A : i32 to vector<3120x1xi32>
      %sign3A_28 = arith.cmpi sgt, %iota3A, %sign3A_27 : vector<3120x1xi32>
      %sign3A_29 = arith.extui %sign3A_28 : vector<3120x1xi1> to vector<3120x1xi32>
      %sign3A_30 = arith.constant 0 : i32
      %sign3A_31 = vector.broadcast %sign3A_30 : i32 to vector<3120x1xi32>
      %sign3A_32 = arith.cmpi slt, %iota3A, %sign3A_31 : vector<3120x1xi32>
      %sign3A_33 = arith.extui %sign3A_32 : vector<3120x1xi1> to vector<3120x1xi32>
      %sign3A_34 = arith.subi %sign3A_29, %sign3A_33 : vector<3120x1xi32>
      %sign3A_35 = arith.constant 0 : i32
      %sign3A_36 = arith.cmpi sgt, %jit3A, %sign3A_35 : i32
      %sign3A_37 = arith.extui %sign3A_36 : i1 to i32
      %sign3A_38 = arith.constant 0 : i32
      %sign3A_39 = arith.cmpi slt, %jit3A, %sign3A_38 : i32
      %sign3A_40 = arith.extui %sign3A_39 : i1 to i32
      %sign3A_41 = arith.subi %sign3A_37, %sign3A_40 : i32
      %ne3A = vector.broadcast %sign3A_41 : i32 to vector<3120x1xi32>
      %ne3A_42 = arith.cmpi ne, %sign3A_34, %ne3A : vector<3120x1xi32>
      %rem3A = vector.broadcast %jit3A : i32 to vector<3120x1xi32>
      %rem3A_43 = arith.remsi %iota3A, %rem3A : vector<3120x1xi32>
      %ne3A_44 = arith.constant 0 : i32
      %ne3A_45 = vector.broadcast %ne3A_44 : i32 to vector<3120x1xi32>
      %ne3A_46 = arith.cmpi ne, %rem3A_43, %ne3A_45 : vector<3120x1xi32>
      %and3A = arith.andi %ne3A_42, %ne3A_46 : vector<3120x1xi1>
      %sub3A = arith.constant 1 : i32
      %sub3A_47 = vector.broadcast %sub3A : i32 to vector<3120x1xi32>
      %sub3A_48 = arith.subi %div3A_26, %sub3A_47 : vector<3120x1xi32>
      %select_n3A = arith.select %and3A, %sub3A_48, %div3A_26 : vector<3120x1xi1>, vector<3120x1xi32>
      %mul3A_49 = arith.constant 60 : i32
      %mul3A_50 = vector.broadcast %mul3A_49 : i32 to vector<3120x1xi32>
      %mul3A_51 = arith.muli %select_n3A, %mul3A_50 : vector<3120x1xi32>
      %sub3A_52 = arith.subi %iota3A, %mul3A_51 : vector<3120x1xi32>
      %jit3A_53 = arith.constant 15 : i32
      %div3A_54 = vector.broadcast %jit3A_53 : i32 to vector<3120x1xi32>
      %div3A_55 = arith.divsi %sub3A_52, %div3A_54 : vector<3120x1xi32>
      %sign3A_56 = arith.constant 0 : i32
      %sign3A_57 = vector.broadcast %sign3A_56 : i32 to vector<3120x1xi32>
      %sign3A_58 = arith.cmpi sgt, %sub3A_52, %sign3A_57 : vector<3120x1xi32>
      %sign3A_59 = arith.extui %sign3A_58 : vector<3120x1xi1> to vector<3120x1xi32>
      %sign3A_60 = arith.constant 0 : i32
      %sign3A_61 = vector.broadcast %sign3A_60 : i32 to vector<3120x1xi32>
      %sign3A_62 = arith.cmpi slt, %sub3A_52, %sign3A_61 : vector<3120x1xi32>
      %sign3A_63 = arith.extui %sign3A_62 : vector<3120x1xi1> to vector<3120x1xi32>
      %sign3A_64 = arith.subi %sign3A_59, %sign3A_63 : vector<3120x1xi32>
      %sign3A_65 = arith.constant 0 : i32
      %sign3A_66 = arith.cmpi sgt, %jit3A_53, %sign3A_65 : i32
      %sign3A_67 = arith.extui %sign3A_66 : i1 to i32
      %sign3A_68 = arith.constant 0 : i32
      %sign3A_69 = arith.cmpi slt, %jit3A_53, %sign3A_68 : i32
      %sign3A_70 = arith.extui %sign3A_69 : i1 to i32
      %sign3A_71 = arith.subi %sign3A_67, %sign3A_70 : i32
      %ne3A_72 = vector.broadcast %sign3A_71 : i32 to vector<3120x1xi32>
      %ne3A_73 = arith.cmpi ne, %sign3A_64, %ne3A_72 : vector<3120x1xi32>
      %rem3A_74 = vector.broadcast %jit3A_53 : i32 to vector<3120x1xi32>
      %rem3A_75 = arith.remsi %sub3A_52, %rem3A_74 : vector<3120x1xi32>
      %ne3A_76 = arith.constant 0 : i32
      %ne3A_77 = vector.broadcast %ne3A_76 : i32 to vector<3120x1xi32>
      %ne3A_78 = arith.cmpi ne, %rem3A_75, %ne3A_77 : vector<3120x1xi32>
      %and3A_79 = arith.andi %ne3A_73, %ne3A_78 : vector<3120x1xi1>
      %sub3A_80 = arith.constant 1 : i32
      %sub3A_81 = vector.broadcast %sub3A_80 : i32 to vector<3120x1xi32>
      %sub3A_82 = arith.subi %div3A_55, %sub3A_81 : vector<3120x1xi32>
      %select_n3A_83 = arith.select %and3A_79, %sub3A_82, %div3A_55 : vector<3120x1xi1>, vector<3120x1xi32>
      %mul3A_84 = arith.constant 15 : i32
      %mul3A_85 = vector.broadcast %mul3A_84 : i32 to vector<3120x1xi32>
      %mul3A_86 = arith.muli %select_n3A_83, %mul3A_85 : vector<3120x1xi32>
      %sub3A_87 = arith.subi %sub3A_52, %mul3A_86 : vector<3120x1xi32>
      %jit3A_88 = arith.constant 5 : i32
      %div3A_89 = vector.broadcast %jit3A_88 : i32 to vector<3120x1xi32>
      %div3A_90 = arith.divsi %sub3A_87, %div3A_89 : vector<3120x1xi32>
      %sign3A_91 = arith.constant 0 : i32
      %sign3A_92 = vector.broadcast %sign3A_91 : i32 to vector<3120x1xi32>
      %sign3A_93 = arith.cmpi sgt, %sub3A_87, %sign3A_92 : vector<3120x1xi32>
      %sign3A_94 = arith.extui %sign3A_93 : vector<3120x1xi1> to vector<3120x1xi32>
      %sign3A_95 = arith.constant 0 : i32
      %sign3A_96 = vector.broadcast %sign3A_95 : i32 to vector<3120x1xi32>
      %sign3A_97 = arith.cmpi slt, %sub3A_87, %sign3A_96 : vector<3120x1xi32>
      %sign3A_98 = arith.extui %sign3A_97 : vector<3120x1xi1> to vector<3120x1xi32>
      %sign3A_99 = arith.subi %sign3A_94, %sign3A_98 : vector<3120x1xi32>
      %sign3A_100 = arith.constant 0 : i32
      %sign3A_101 = arith.cmpi sgt, %jit3A_88, %sign3A_100 : i32
      %sign3A_102 = arith.extui %sign3A_101 : i1 to i32
      %sign3A_103 = arith.constant 0 : i32
      %sign3A_104 = arith.cmpi slt, %jit3A_88, %sign3A_103 : i32
      %sign3A_105 = arith.extui %sign3A_104 : i1 to i32
      %sign3A_106 = arith.subi %sign3A_102, %sign3A_105 : i32
      %ne3A_107 = vector.broadcast %sign3A_106 : i32 to vector<3120x1xi32>
      %ne3A_108 = arith.cmpi ne, %sign3A_99, %ne3A_107 : vector<3120x1xi32>
      %rem3A_109 = vector.broadcast %jit3A_88 : i32 to vector<3120x1xi32>
      %rem3A_110 = arith.remsi %sub3A_87, %rem3A_109 : vector<3120x1xi32>
      %ne3A_111 = arith.constant 0 : i32
      %ne3A_112 = vector.broadcast %ne3A_111 : i32 to vector<3120x1xi32>
      %ne3A_113 = arith.cmpi ne, %rem3A_110, %ne3A_112 : vector<3120x1xi32>
      %and3A_114 = arith.andi %ne3A_108, %ne3A_113 : vector<3120x1xi1>
      %sub3A_115 = arith.constant 1 : i32
      %sub3A_116 = vector.broadcast %sub3A_115 : i32 to vector<3120x1xi32>
      %sub3A_117 = arith.subi %div3A_90, %sub3A_116 : vector<3120x1xi32>
      %select_n3A_118 = arith.select %and3A_114, %sub3A_117, %div3A_90 : vector<3120x1xi1>, vector<3120x1xi32>
      %mul3A_119 = arith.constant 5 : i32
      %mul3A_120 = vector.broadcast %mul3A_119 : i32 to vector<3120x1xi32>
      %mul3A_121 = arith.muli %select_n3A_118, %mul3A_120 : vector<3120x1xi32>
      %sub3A_122 = arith.subi %sub3A_87, %mul3A_121 : vector<3120x1xi32>
      %iota3A_123 = tpu.iota {dimensions = array<i32: 1>} : vector<3120x48xi32>
      %jit3A_124 = arith.constant 13 : i32
      %eq3A_125 = arith.constant 0 : i32
      %eq3A_126 = arith.cmpi eq, %jit3A_124, %eq3A_125 : i32
      %jit3A_127 = arith.constant 1 : i32
      %select_n3A_128 = arith.select %eq3A_126, %jit3A_127, %jit3A_124 : i32
      %rem3A_129 = vector.broadcast %select_n3A_128 : i32 to vector<3120x1xi32>
      %rem3A_130 = arith.remsi %select_n3A, %rem3A_129 : vector<3120x1xi32>
      %ne3A_131 = arith.constant 0 : i32
      %ne3A_132 = vector.broadcast %ne3A_131 : i32 to vector<3120x1xi32>
      %ne3A_133 = arith.cmpi ne, %rem3A_130, %ne3A_132 : vector<3120x1xi32>
      %lt3A = arith.constant 0 : i32
      %lt3A_134 = vector.broadcast %lt3A : i32 to vector<3120x1xi32>
      %lt3A_135 = arith.cmpi slt, %rem3A_130, %lt3A_134 : vector<3120x1xi32>
      %lt3A_136 = arith.constant 0 : i32
      %lt3A_137 = arith.cmpi slt, %select_n3A_128, %lt3A_136 : i32
      %ne3A_138 = vector.broadcast %lt3A_137 : i1 to vector<3120x1xi1>
      %ne3A_139 = vector.broadcast %ne3A_138 : vector<3120x1xi1> to vector<3120x1xi1>
      %ne3A_140 = arith.xori %lt3A_135, %ne3A_139 : vector<3120x1xi1>
      %and3A_141 = arith.andi %ne3A_140, %ne3A_133 : vector<3120x1xi1>
      %add3A_142 = vector.broadcast %select_n3A_128 : i32 to vector<3120x1xi32>
      %add3A_143 = arith.addi %rem3A_130, %add3A_142 : vector<3120x1xi32>
      %select_n3A_144 = arith.select %and3A_141, %add3A_143, %rem3A_130 : vector<3120x1xi1>, vector<3120x1xi32>
      %add3A_145 = arith.constant 0 : i32
      %add3A_146 = vector.broadcast %add3A_145 : i32 to vector<3120x1xi32>
      %add3A_147 = arith.addi %add3A_146, %select_n3A_144 : vector<3120x1xi32>
      %eq3A_148 = vector.broadcast %add3A_147 : vector<3120x1xi32> to vector<3120x48xi32>
      %eq3A_149 = arith.cmpi eq, %iota3A_123, %eq3A_148 : vector<3120x48xi32>
      %convert_element_type3A_150 = arith.extui %eq3A_149 : vector<3120x48xi1> to vector<3120x48xi32>
      %convert_element_type3A_151 = arith.sitofp %convert_element_type3A_150 : vector<3120x48xi32> to vector<3120x48xf32>
      %jit3A_152 = arith.constant 13 : i32
      %div3A_153 = vector.broadcast %jit3A_152 : i32 to vector<3120x1xi32>
      %div3A_154 = arith.divsi %select_n3A, %div3A_153 : vector<3120x1xi32>
      %sign3A_155 = arith.constant 0 : i32
      %sign3A_156 = vector.broadcast %sign3A_155 : i32 to vector<3120x1xi32>
      %sign3A_157 = arith.cmpi sgt, %select_n3A, %sign3A_156 : vector<3120x1xi32>
      %sign3A_158 = arith.extui %sign3A_157 : vector<3120x1xi1> to vector<3120x1xi32>
      %sign3A_159 = arith.constant 0 : i32
      %sign3A_160 = vector.broadcast %sign3A_159 : i32 to vector<3120x1xi32>
      %sign3A_161 = arith.cmpi slt, %select_n3A, %sign3A_160 : vector<3120x1xi32>
      %sign3A_162 = arith.extui %sign3A_161 : vector<3120x1xi1> to vector<3120x1xi32>
      %sign3A_163 = arith.subi %sign3A_158, %sign3A_162 : vector<3120x1xi32>
      %sign3A_164 = arith.constant 0 : i32
      %sign3A_165 = arith.cmpi sgt, %jit3A_152, %sign3A_164 : i32
      %sign3A_166 = arith.extui %sign3A_165 : i1 to i32
      %sign3A_167 = arith.constant 0 : i32
      %sign3A_168 = arith.cmpi slt, %jit3A_152, %sign3A_167 : i32
      %sign3A_169 = arith.extui %sign3A_168 : i1 to i32
      %sign3A_170 = arith.subi %sign3A_166, %sign3A_169 : i32
      %ne3A_171 = vector.broadcast %sign3A_170 : i32 to vector<3120x1xi32>
      %ne3A_172 = arith.cmpi ne, %sign3A_163, %ne3A_171 : vector<3120x1xi32>
      %rem3A_173 = vector.broadcast %jit3A_152 : i32 to vector<3120x1xi32>
      %rem3A_174 = arith.remsi %select_n3A, %rem3A_173 : vector<3120x1xi32>
      %ne3A_175 = arith.constant 0 : i32
      %ne3A_176 = vector.broadcast %ne3A_175 : i32 to vector<3120x1xi32>
      %ne3A_177 = arith.cmpi ne, %rem3A_174, %ne3A_176 : vector<3120x1xi32>
      %and3A_178 = arith.andi %ne3A_172, %ne3A_177 : vector<3120x1xi1>
      %sub3A_179 = arith.constant 1 : i32
      %sub3A_180 = vector.broadcast %sub3A_179 : i32 to vector<3120x1xi32>
      %sub3A_181 = arith.subi %div3A_154, %sub3A_180 : vector<3120x1xi32>
      %select_n3A_182 = arith.select %and3A_178, %sub3A_181, %div3A_154 : vector<3120x1xi1>, vector<3120x1xi32>
      %add3A_183 = arith.constant 16 : i32
      %add3A_184 = vector.broadcast %add3A_183 : i32 to vector<3120x1xi32>
      %add3A_185 = arith.addi %add3A_184, %select_n3A_182 : vector<3120x1xi32>
      %eq3A_186 = vector.broadcast %add3A_185 : vector<3120x1xi32> to vector<3120x48xi32>
      %eq3A_187 = arith.cmpi eq, %iota3A_123, %eq3A_186 : vector<3120x48xi32>
      %convert_element_type3A_188 = arith.extui %eq3A_187 : vector<3120x48xi1> to vector<3120x48xi32>
      %convert_element_type3A_189 = arith.sitofp %convert_element_type3A_188 : vector<3120x48xi32> to vector<3120x48xf32>
      %add3A_190 = arith.addf %convert_element_type3A_151, %convert_element_type3A_189 : vector<3120x48xf32>
      %add3A_191 = arith.constant 24 : i32
      %add3A_192 = vector.broadcast %add3A_191 : i32 to vector<3120x1xi32>
      %add3A_193 = arith.addi %add3A_192, %select_n3A_83 : vector<3120x1xi32>
      %eq3A_194 = vector.broadcast %add3A_193 : vector<3120x1xi32> to vector<3120x48xi32>
      %eq3A_195 = arith.cmpi eq, %iota3A_123, %eq3A_194 : vector<3120x48xi32>
      %convert_element_type3A_196 = arith.extui %eq3A_195 : vector<3120x48xi1> to vector<3120x48xi32>
      %convert_element_type3A_197 = arith.sitofp %convert_element_type3A_196 : vector<3120x48xi32> to vector<3120x48xf32>
      %add3A_198 = arith.addf %add3A_190, %convert_element_type3A_197 : vector<3120x48xf32>
      %add3A_199 = arith.constant 32 : i32
      %add3A_200 = vector.broadcast %add3A_199 : i32 to vector<3120x1xi32>
      %add3A_201 = arith.addi %add3A_200, %select_n3A_118 : vector<3120x1xi32>
      %eq3A_202 = vector.broadcast %add3A_201 : vector<3120x1xi32> to vector<3120x48xi32>
      %eq3A_203 = arith.cmpi eq, %iota3A_123, %eq3A_202 : vector<3120x48xi32>
      %convert_element_type3A_204 = arith.extui %eq3A_203 : vector<3120x48xi1> to vector<3120x48xi32>
      %convert_element_type3A_205 = arith.sitofp %convert_element_type3A_204 : vector<3120x48xi32> to vector<3120x48xf32>
      %add3A_206 = arith.addf %add3A_198, %convert_element_type3A_205 : vector<3120x48xf32>
      %add3A_207 = arith.constant 40 : i32
      %add3A_208 = vector.broadcast %add3A_207 : i32 to vector<3120x1xi32>
      %add3A_209 = arith.addi %add3A_208, %sub3A_122 : vector<3120x1xi32>
      %eq3A_210 = vector.broadcast %add3A_209 : vector<3120x1xi32> to vector<3120x48xi32>
      %eq3A_211 = arith.cmpi eq, %iota3A_123, %eq3A_210 : vector<3120x48xi32>
      %convert_element_type3A_212 = arith.extui %eq3A_211 : vector<3120x48xi1> to vector<3120x48xi32>
      %convert_element_type3A_213 = arith.sitofp %convert_element_type3A_212 : vector<3120x48xi32> to vector<3120x48xf32>
      %add3A_214 = arith.addf %add3A_206, %convert_element_type3A_213 : vector<3120x48xf32>
      %get3A_215 = arith.constant 0 : index
      %get3A_216 = arith.constant 0 : index
      %get3A_217 = vector.load %arg5[%get3A_215, %get3A_216] : memref<48x128xf32, #tpu.memory_space<vmem>>, vector<48x128xf32>
      %dot_general3A = arith.constant dense<0.000000e+00> : vector<3120x128xf32>
      %dot_general3A_218 = tpu.matmul %add3A_214, %get3A_217, %dot_general3A {dimension_numbers = #tpu.dot_dimension_numbers<[1], [0], [0], [1], [0, 0, 1, 1], [], []>, precision = #tpu.contract_precision<fp32>, transpose_lhs_hint = false} : vector<3120x48xf32>, vector<48x128xf32>, vector<3120x128xf32> -> vector<3120x128xf32>
      %swap3A_219 = arith.constant 0 : index
      %swap3A_220 = arith.constant 0 : index
      %swap3A_221 = vector.load %arg7[%swap3A_219, %swap3A_220] : memref<3120x128xf32, #tpu.memory_space<vmem>>, vector<3120x128xf32>
      tpu.vector_store %arg7[%swap3A_219, %swap3A_220], %dot_general3A_218 {strides = array<i32>} : memref<3120x128xf32, #tpu.memory_space<vmem>>, vector<3120x128xf32>,
    } else {
    }
    return
  }
  func.func @transform_0(%arg0: i32) -> (i32, i32) {
    %c0_i32 = arith.constant 0 : i32
    %c0_i32_0 = arith.constant 0 : i32
    return %c0_i32, %arg0 : i32, i32
  }
  func.func @transform_1(%arg0: i32) -> (i32, i32) {
    %c0_i32 = arith.constant 0 : i32
    %c0_i32_0 = arith.constant 0 : i32
    return %c0_i32, %arg0 : i32, i32
  }
  func.func @transform_2(%arg0: i32) -> (i32, i32) {
    %c0_i32 = arith.constant 0 : i32
    %c0_i32_0 = arith.constant 0 : i32
    return %c0_i32, %arg0 : i32, i32
  }
  func.func @transform_3(%arg0: i32) -> (i32, i32) {
    %c0_i32 = arith.constant 0 : i32
    %c0_i32_0 = arith.constant 0 : i32
    return %c0_i32, %arg0 : i32, i32
  }
  func.func @transform_4(%arg0: i32) -> (i32, i32) {
    %c0_i32 = arith.constant 0 : i32
    %c0_i32_0 = arith.constant 0 : i32
    %c0_i32_1 = arith.constant 0 : i32
    return %c0_i32, %c0_i32_0 : i32, i32
  }
  func.func @transform_5(%arg0: i32) -> (i32, i32, i32) {
    %c0_i32 = arith.constant 0 : i32
    %c0_i32_0 = arith.constant 0 : i32
    %c0_i32_1 = arith.constant 0 : i32
    return %c0_i32, %arg0, %c0_i32_0 : i32, i32, i32
  }
  func.func @transform_6(%arg0: i32) -> (i32, i32) {
    %c0_i32 = arith.constant 0 : i32
    %c0_i32_0 = arith.constant 0 : i32
    %c0_i32_1 = arith.constant 0 : i32
    return %c0_i32, %c0_i32_0 : i32, i32
  }
}

</mosaic_0001>

<sc_bundles>
// kernel: kernel.4.cloned.1.call-start
scs
__scs_entry_jumppad:
0x0: {  	(pc) =	sbr.rel $0x88, $3  }
0x1: {  	(tag) =	ssettag $0x0;
	lr =	simm.s32 $0x1  }
0x2: {  	[smem:$0x3F98] =	sst lr;
	_ =	strace $0xD0000000  }
0x3: {  	_ = 	snop  }
0x4: {  	_ = 	snop  }
0x5: {  	_ = 	snop  }
0x6: {  	_ = 	snop  }
0x7: {  	_ = 	snop  }
__scs_overlays_trampoline_lowered:
0x8: {  	[smem:$0x3FA7] =	sst s0  }
0x9: {  	[smem:$0x3FA8] =	sst s1  }
0xa: {  	[smem:$0x3FA9] =	sst s2  }
0xb: {  	[smem:$0x3FAA] =	sst s3  }
0xc: {  	[smem:$0x3FAB] =	sst s4  }
0xd: {  	[smem:$0x3FAC] =	sst s5  }
0xe: {  	[smem:$0x3FAD] =	sst s6  }
0xf: {  	[smem:$0x3FAE] =	sst s7  }
0x10: {  	[smem:$0x3FAF] =	sst s8  }
0x11: {  	[smem:$0x3FB0] =	sst s9;
	s0 =	simm.s32 @!p0 $0x0  }
0x12: {  	s1 =	sld [smem:$0x3F96];
	s0 =	simm.s32 @p0 $0x1  }
0x13: {  	[smem:$0x3FB1] =	sst s0;
	s0 =	simm.s32 @!p1 $0x0  }
0x14: {  	s2 =	sld [smem:$0x3F95];
	s0 =	simm.s32 @p1 $0x1  }
0x15: {  	[smem:$0x3FB2] =	sst s0;
	s0 =	simm.s32 @!p2 $0x0  }
0x16: {  	s3 =	sld [smem:$0x3FDB];
	s0 =	simm.s32 @p2 $0x1  }
0x17: {  	s4 =	simm.s32 $0x1BF5;
	[smem:$0x3FB4] =	sst s0  }
0x18: {  	s0 =	sld [smem:$0x3F97];
	_ =	swait.ge [sflag:s4], $0x0  }
0x19: {  	s7 =	sld [smem:$0x3F98]  }
0x1a: {  	s8 =	sadd.s32 $0xFFFFE003, lr  }
0x1b: {  	s9 =	sadd.s32 $0xFFFFFEF7, lr;
	s5 =	simm.s32 $0xFFFFFFFF;
	p2 =	slt.u32 s8, $0xFFFFF086  }
0x1c: {  	p1 =	slt.u32 s9, $0xF7A;
	s5 =	simm.s32 @!p2 $0x0  }
0x1d: {  	s5 =	simm.s32 @p1 $0x1;
	p0 =	seq.s32 s7, s2  }
0x1e: {  	s7 =	smul.u32 @!p0 $0xF7A, s2;
	p2 =	seq.s32 @!p0 s5, $0x0  }
0x1f: {  	s9 =	smul.u32 $0xF7A, s1;
	s8 =	simm.s32 @!p0 $0x1BF5;
	p2 =	por !p2, p0  }
0x20: {  	[sflag:s8] =	ssyncset.s32 @!p0 $0xFFFFF086;
	s6 =	sadd.s32 @!p0 s3, s7;
	s7 =	simm.s32 @!p0 $0x108  }
0x21: {  	s3 =	sadd.s32 s3, s9;
	s6 =	sadd.s32 @!p0 $0x88, s6;
	s7 =	simm.s32 @p2 $0x1082  }
0x22: {  	[simem:s7], [sflag:s8] =	dma.local @!p0 [hbm:s6], $0xF7A  }
0x23: {  	s9 =	sor.u32 $0xD0000000, s2;
	s6 =	simm.s32 $0x108;
	_ =	swait.ge @!p0 [sflag:s8], $0x0  }
0x24: {  	s3 =	sadd.s32 $0x88, s3;
	s6 =	simm.s32 @!p1 $0x1082;
	[sflag:s4] =	ssyncset.s32 $0xFFFFF086  }
0x25: {  	[simem:s6], [sflag:s4] =	dma.local [hbm:s3], $0xF7A  }
0x26: {  	[smem:$0x3F98] =	sst s1;
	(tag) =	ssettag s2;
	_ =	strace s9  }
0x27: {  	s1 =	sld [smem:$0x3FA8]  }
0x28: {  	s2 =	sld [smem:$0x3FA9]  }
0x29: {  	s4 =	sld [smem:$0x3FAB]  }
0x2a: {  	p0 =	seq.s32 s5, $0x0;
	s5 =	sld [smem:$0x3FAC]  }
0x2b: {  	s6 =	sld [smem:$0x3FAD]  }
0x2c: {  	s7 =	sld [smem:$0x3FAE]  }
0x2d: {  	s3 =	simm.s32 $0x108;
	s8 =	sld [smem:$0x3FAF]  }
0x2e: {  	s3 =	simm.s32 @!p0 $0x1082;
	s9 =	sld [smem:$0x3FB0]  }
0x2f: {  	lr =	sadd.s32 s0, s3;
	s0 =	sld [smem:$0x3FA7]  }
0x30: {  	s3 =	sld [smem:$0x3FAA]  }
0x31: {  	[smem:$0x3FB3] =	sst s10  }
0x32: {  	s10 =	sld [smem:$0x3FB1];
	_ =	sdelay $0x3  }
0x33: {  	p0 =	seq.s32 s10, $0x1;
	s10 =	sld [smem:$0x3FB3];
	_ =	sdelay $0x3  }
0x34: {  	[smem:$0x3FB3] =	sst s10  }
0x35: {  	s10 =	sld [smem:$0x3FB2];
	_ =	sdelay $0x3  }
0x36: {  	p1 =	seq.s32 s10, $0x1;
	s10 =	sld [smem:$0x3FB3];
	_ =	sdelay $0x3  }
0x37: {  	[smem:$0x3FB3] =	sst s10  }
0x38: {  	s10 =	sld [smem:$0x3FB4]  }
0x39: {  	_ = 	snop;
	(pc) =	sbr.ind lr, $3  }
0x3a: {  	_ = 	snop  }
0x3b: {  	_ = 	snop  }
0x3c: {  	p2 =	seq.s32 s10, $0x1;
	s10 =	sld [smem:$0x3FB3]  }
0x3d: {  	_ =	shalt  }
0x3e: {  	_ =	shalt  }
0x3f: {  	_ =	shalt  }
0x40: {  	_ =	shalt  }
0x41: {  	_ =	shalt  }
0x42: {  	_ =	shalt  }
0x43: {  	_ =	shalt  }
0x44: {  	_ =	shalt  }
0x45: {  	_ =	shalt  }
0x46: {  	_ =	shalt  }
0x47: {  	_ =	shalt  }
0x48: {  	_ =	shalt  }
0x49: {  	_ =	shalt  }
0x4a: {  	_ =	shalt  }
0x4b: {  	_ =	shalt  }
0x4c: {  	_ =	shalt  }
0x4d: {  	_ =	shalt  }
0x4e: {  	_ =	shalt  }
0x4f: {  	_ =	shalt  }
0x50: {  	_ =	shalt  }
0x51: {  	_ =	shalt  }
0x52: {  	_ =	shalt  }
0x53: {  	_ =	shalt  }
0x54: {  	_ =	shalt  }
0x55: {  	_ =	shalt  }
0x56: {  	_ =	shalt  }
0x57: {  	_ =	shalt  }
0x58: {  	_ =	shalt  }
0x59: {  	_ =	shalt  }
0x5a: {  	_ =	shalt  }
0x5b: {  	_ =	shalt  }
0x5c: {  	_ =	shalt  }
0x5d: {  	_ =	shalt  }
0x5e: {  	_ =	shalt  }
0x5f: {  	_ =	shalt  }
0x60: {  	_ =	shalt  }
0x61: {  	_ =	shalt  }
0x62: {  	_ =	shalt  }
0x63: {  	_ =	shalt  }
0x64: {  	_ =	shalt  }
0x65: {  	_ =	shalt  }
0x66: {  	_ =	shalt  }
0x67: {  	_ =	shalt  }
0x68: {  	_ =	shalt  }
0x69: {  	_ =	shalt  }
0x6a: {  	_ =	shalt  }
0x6b: {  	_ =	shalt  }
0x6c: {  	_ =	shalt  }
0x6d: {  	_ =	shalt  }
0x6e: {  	_ =	shalt  }
0x6f: {  	_ =	shalt  }
0x70: {  	_ =	shalt  }
0x71: {  	_ =	shalt  }
0x72: {  	_ =	shalt  }
0x73: {  	_ =	shalt  }
0x74: {  	_ =	shalt  }
0x75: {  	_ =	shalt  }
0x76: {  	_ =	shalt  }
0x77: {  	_ =	shalt  }
0x78: {  	_ =	shalt  }
0x79: {  	_ =	shalt  }
0x7a: {  	_ =	shalt  }
0x7b: {  	_ =	shalt  }
0x7c: {  	_ =	shalt  }
0x7d: {  	_ =	shalt  }
0x7e: {  	_ =	shalt  }
0x7f: {  	_ =	shalt  }
0x80: {  	_ =	shalt  }
0x81: {  	_ =	shalt  }
0x82: {  	_ =	shalt  }
0x83: {  	_ =	shalt  }
0x84: {  	_ =	shalt  }
0x85: {  	_ =	shalt  }
0x86: {  	_ =	shalt  }
0x87: {  	_ =	shalt  }
.Lfunc_end0:
.L_simem_size_0:
called_computation_lowered:
.L_overlay_start_0:
0x88: {  	s2 =	sld [smem:$0x3FD9]  }
0x89: {  	s3 =	sld [smem:$0x3FFE];
	_ =	sdelay $0x1  }
0x8a: {  	s1 =	srdreg.scid  }
0x8b: {  	s0 =	sand.u32 $0x1, s1  }
0x8c: {  	s17 =	sshll.u32 s0, $0xA;
	s2 =	sadd.s32 s3, s2  }
0x8d: {  	s2 =	sadd.s32 s2, s17  }
0x8e: {  	[smem:$0x3FBF] =	sst s2  }
0x8f: {  	_ = 	snop  }
0x90: {  	s2 =	sld [smem:$0x3FD0];
	(tm) =	ssettm $0x1  }
0x91: {  	s18 =	sld [smem:$0x3FFB];
	_ =	sdelay $0x3  }
0x92: {  	_ =	strace s18  }
0x93: {  	s3 =	sld [smem:$0x3FFC];
	_ =	sdelay $0x3  }
0x94: {  	_ =	strace s3  }
0x95: {  	s3 =	sld [smem:$0x3FFD];
	_ =	sdelay $0x3  }
0x96: {  	_ =	strace s3  }
0x97: {  	_ =	strace $0x8FFFFFFF  }
0x98: {  	s19 =	sld [smem:$0x3FDB];
	_ =	sdelay $0x1  }
0x99: {  	s4 =	simm.s32 $_scs_section_size  }
0x9a: {  	s5 =	simm.s32 $_size__tile_overlayer_lowered;
	s6 =	simm.s32 $_tile_overlayer_lowered  }
0x9b: {  	s22 =	simm.s32 $0x1BFF;
	s21 =	sshll.u32 s6, $0x1;
	s3 =	sadd.s32 s4, s19  }
0x9c: {  	s7 =	simm.s32 $0x0;
	s20 =	sshll.u32 s5, $0x1;
	s5 =	sadd.s32 s21, s3  }
0x9d: {  	[timem:s7], [sflag:s22] =	dma.local [hbm:s5], s20  }
0x9e: {  	_ =	swait.ge [sflag:s22], s20  }
0x9f: {  	s4 =	ssub.s32 $0x0, s20;
	[sflag:s22] =	ssyncset.done $0x0  }
0xa0: {  	[sflag:s22] =	ssyncadd.s32 s4;
	_ =	sdelay $0x1  }
0xa1: {  	s23 =	simm.s32 $0x1B8B  }
0xa2: {  	_ =	swait.ge [sflag:s23], $0x1  }
0xa3: {  	[sflag:s23] =	ssyncset.done $0x0  }
0xa4: {  	s25 =	simm.s32 $0x1B8E;
	s24 =	sld [smem:$0x3FFE];
	[sflag:s23] =	ssyncadd.s32 $0xFFFFFFFF  }
0xa5: {  	s26 =	simm.s32 $execute0_lowered;
	[smem:$0x3FD2] =	sst s25  }
0xa6: {  	s5 =	sshll.u32 s26, $0x1;
	_ =	strace $0x80000046;
	[dreg:$0x1] =	wrdreg $0xFFFFFFFF  }
0xa7: {  	s28 =	simm.s32 $_size_execute0_lowered;
	s3 =	sadd.s32 s3, s5;
	[dreg:$0x0] =	wrdreg $0x0  }
0xa8: {  	s5 =	sshll.u32 s28, $0x1;
	[dreg:$0x2] =	wrdreg s3  }
0xa9: {  	[dreg:$0x3] =	wrdreg s5  }
0xaa: {  	[dreg:$0x4] =	wrdreg $0xC0  }
0xab: {  	_ =	task [dreg:s7], $0x5FFFF  }
0xac: {  	[dreg:$0x1] =	wrdreg $0xFFFFFFFF  }
0xad: {  	[dreg:$0x0] =	wrdreg $0x60  }
0xae: {  	[dreg:$0x2] =	wrdreg s24  }
0xaf: {  	[dreg:$0x3] =	wrdreg s2  }
0xb0: {  	[dreg:$0x4] =	wrdreg $0x164000  }
0xb1: {  	[dreg:$0x5] =	wrdreg $0x9  }
0xb2: {  	_ =	task.clear_ibuf [dreg:s7], $0x6FFFF;
	_ =	strace $0x90000046  }
0xb3: {  	s29 =	simm.s32 $0x9;
	_ =	strace $0x80000048  }
0xb4: {  	_ =	swait.ge [sflag:s29], $0x1  }
0xb5: {  	[sflag:s29] =	ssyncadd.s32 $0xFFFFFFFF  }
0xb6: {  	_ =	strace $0x90000048  }
0xb7: {  	_ =	sfence  }
0xb8: {  	s30 =	sld [smem:$0x0];
	_ =	sdelay $0x2  }
0xb9: {  	s31 =	sshll.u32 s1, $0xD;
	s1 =	sshrl.u32 s1, $0x2  }
0xba: {  	s3 =	sand.u32 $0x4000, s31;
	s1 =	sadd.s32 s1, s30  }
0xbb: {  	s0 =	sor.u32 s3, s0;
	s1 =	sshll.u32 s1, $0x11  }
0xbc: {  	s0 =	sor.u32 s1, s0  }
0xbd: {  	s0 =	sadd.s32 $0x8F2B, s0  }
0xbe: {  	[sflag:s0] =	ssyncadd.remote.s32 $0x1  }
0xbf: {  	_ =	sfence.sel $0xFFFF  }
0xc0: {  	[dreg:$0x0] =	wrdreg $0xFFFFFFFF;
	(pc) =	sbr.abs _section_cstart, $3  }
0xc1: {  	[dreg:$0x1] =	wrdreg $0xFFFFFFFF  }
0xc2: {  	_ =	task.clear_ibuf [dreg:s7], $0x2FFFF;
	_ =	strace $0x9FFFFFFF  }
0xc3: {  	(tm) =	ssettm $0x7FFFFFFF  }
tec
execute0_lowered:
.L_overlay_start_1:
0x0: {  	(tag) =	ssettag $0x1  }
0x1: {  	s0 =	rddreg [dreg:$0x0];
	s13 =	stileid.u32  }
0x2: {  	s1 =	srdreg.scid;
	s5 =	smul.u32 $0xC00, s13  }
0x3: {  	s3 =	rddreg [dreg:$0x1];
	s8 =	smul.u32 $0x18000, s13  }
0x4: {  	s28 =	simm.s32 $0x8;
	s29 =	simm.s32 $0x0;
	s10 =	smul.u32 $0xC0, s13  }
0x5: {  	s11 =	sand.u32 $0x1, s1;
	s2 =	sshll.u32 s13, $0x1;
	s20 =	smul.u32 $0x640000, s13  }
0x6: {  	s1 =	rddreg [dreg:$0x2];
	s12 =	sadd.s32 $0x1A200, s0;
	s25 =	smul.u32 $0xC8000, s13  }
0x7: {  	p0 =	sne.s32 s13, $0x0;
	s7 =	sor.u32 s11, s2;
	s23 =	smul.u32 $0x320000, s11  }
0x8: {  	s2 =	simm.s32 $0x0;
	s6 =	ssub.s32 $0x2, s11;
	s26 =	smul.u32 $0x64000, s11  }
0x9: {  	s19 =	sadd.s32 $0x60000, s1;
	s4 =	smul.u32 $0x6400, s7;
	[smem:$0x7FF] =	sst s2  }
0xa: {  	s9 =	sshrl.u32 s6, $0x1;
	s5 =	sadd.s32 s12, s5;
	s18 =	smul.u32 $0x64000, s7  }
0xb: {  	s31 =	sadd.s32 s25, s3;
	s25 =	simm.s32 $0x6;
	_ =	strace $0x80000047  }
0xc: {  	s15 =	ssub.s32 s6, s9;
	[dreg:$0x5] =	wrdreg s5;
	s6 =	sshrl.u32 s8, $0x2  }
0xd: {  	s8 =	sadd.s32 $0x80, s10;
	[dreg:$0xa] =	wrdreg s19;
	s4 =	sshrl.u32 s4, $0x3  }
0xe: {  	s9 =	sshll.u32 s8, $0x4;
	s10 =	sshll.u32 s8, $0x7;
	s24 =	smax.u32 s15, $0x1  }
0xf: {  	s14 =	sadd.s32 s4, s0;
	s4 =	sadd.s32 s6, s1;
	[dreg:$0xc] =	wrdreg s24  }
0x10: {  	s22 =	sadd.s32 s3, s18;
	s16 =	sadd.s32 s12, s9;
	[dreg:$0x6] =	wrdreg s4  }
0x11: {  	s15 =	simm.s32 $0x9;
	s17 =	sadd.s32 s10, s1;
	[dreg:$0x7] =	wrdreg s16  }
0x12: {  	s0 =	sadd.s32 $0x26200, s0;
	s12 =	sadd.s32 $0x63000, s22;
	[dreg:$0x8] =	wrdreg s17  }
0x13: {  	s22 =	simm.s32 $0x2;
	s24 =	simm.s32 $0x5;
	[dreg:$0x9] =	wrdreg s0  }
0x14: {  	s21 =	sadd.s32 $0x1200, s14;
	[dreg:$0x4] =	wrdreg s12;
	s0 =	sadd.s32 s23, s20  }
0x15: {  	s12 =	sadd.s32 s26, s31;
	s14 =	simm.s32 $0x6400;
	s16 =	simm.s32 $0x80  }
0x16: {  	s17 =	simm.s32 $0xA400;
	s20 =	simm.s32 $0x12400;
	s23 =	simm.s32 $0x4  }
0x17: {  	s26 =	simm.s32 $0x7;
	s30 =	sshrl.u32 s0, $0x3;
	s0 =	sor.u32 $0xC000, s0  }
0x18: {  	[dreg:$0xb] =	wrdreg s21;
	s12 =	sadd.s32 $0x1000, s12;
	s0 =	sshrl.u32 s0, $0x3  }
0x19: {  	s21 =	simm.s32 $0x1;
	s11 =	sadd.s32 s30, s3;
	s3 =	sadd.s32 s0, s3  }
.LBB2_1:
0x1a: {  	s0 =	rddreg [dreg:$0x5]  }
0x1b: {  	[tilespmem:s14], [sflag:$0x9] =	stream.linear.gather [hbm4b:s0+s2], $0x4000, $0x38;
	[tilespmem:$0x1C580] =	vst v63  }
0x1c: {  	_ =	swait.ge [sflag:s15], $0x4000  }
0x1d: {  	[sflag:s15] =	ssyncset.done $0x0  }
0x1e: {  	s4 =	rddreg [dreg:$0x6];
	[sflag:s15] =	ssyncadd.s32 $0xFFFFC000  }
0x1f: {  	[spmem:s4] =	stream.linear.scatter [tilespmem:s14], [sflag:$0x9], $0x4000, $0x38;
	[tilespmem:$0x1C580] =	vst v63  }
0x20: {  	_ =	swait.ge [sflag:s15], $0x4000  }
0x21: {  	[sflag:s15] =	ssyncset.done $0x0  }
0x22: {  	s5 =	rddreg [dreg:$0x7];
	[sflag:s15] =	ssyncadd.s32 $0xFFFFC000  }
0x23: {  	[tilespmem:s14], [sflag:$0x9] =	stream.linear.gather [hbm4b:s5+s2], $0x2000, $0x38;
	[tilespmem:$0x1C580] =	vst v63  }
0x24: {  	_ =	swait.ge [sflag:s15], $0x2000  }
0x25: {  	[sflag:s15] =	ssyncset.done $0x0  }
0x26: {  	s6 =	rddreg [dreg:$0x8];
	[sflag:s15] =	ssyncadd.s32 $0xFFFFE000  }
0x27: {  	[spmem:s6] =	stream.linear.scatter [tilespmem:s14], [sflag:$0x9], $0x2000, $0x38;
	[tilespmem:$0x1C580] =	vst v63  }
0x28: {  	_ =	swait.ge [sflag:s15], $0x2000  }
0x29: {  	s13 =	simm.s32 @!p0 $0x6400;
	[sflag:s15] =	ssyncset.done $0x0  }
0x2a: {  	s0 =	simm.s32 @!p0 $0x0;
	s4 =	rddreg [dreg:$0x9];
	[sflag:s15] =	ssyncadd.s32 $0xFFFFE000  }
0x2b: {  	[tilespmem:s13], [sflag:$0x9] =	stream.linear.gather @!p0 [hbm4b:s4+s0], $0x1800, $0x38;
	[tilespmem:$0x1C580] =	vst v63  }
0x2c: {  	s0 =	simm.s32 @!p0 $0x9  }
0x2d: {  	_ =	swait.ge @!p0 [sflag:s0], $0x1800  }
0x2e: {  	[sflag:s0] =	ssyncset.done @!p0 $0x0  }
0x2f: {  	s4 =	rddreg [dreg:$0xa];
	[sflag:s0] =	ssyncadd.s32 @!p0 $0xFFFFE800  }
0x30: {  	[spmem:s4] =	stream.linear.scatter @!p0 [tilespmem:s13], [sflag:$0x9], $0x1800, $0x38;
	[tilespmem:$0x1C580] =	vst v63  }
0x31: {  	_ =	swait.ge @!p0 [sflag:s0], $0x1800  }
0x32: {  	[sflag:s0] =	ssyncset.done @!p0 $0x0  }
0x33: {  	s7 =	rddreg [dreg:$0xb];
	[sflag:s0] =	ssyncadd.s32 @!p0 $0xFFFFE800  }
0x34: {  	[tilespmem:s2], [sflag:$0x9] =	stream.linear.gather [hbm4b:s7+s2], $0x6400, $0x38;
	[tilespmem:$0x1C580] =	vst v63  }
0x35: {  	_ =	swait.ge [sflag:s15], $0x6400  }
0x36: {  	[sflag:s15] =	ssyncset.done $0x0  }
0x37: {  	[sflag:s15] =	ssyncadd.s32 $0xFFFF9C00  }
0x38: {  	[bflag:$0x0] =	sbarrier.arrive $0xFFFF  }
0x39: {  	[tilespmem:s14], [sflag:$0x1] =	stream.indirect.gather [spmem:s1], $0x80, s2, s16, $0xb8;
	[tilespmem:$0x1C580] =	vst v63  }
0x3a: {  	p1 =	por $0x1, $0x1  }
0x3b: {  	[tilespmem:s17], [sflag:$0x2] =	stream.indirect.gather [spmem:s1], $0x80, s16, s16, $0xb8;
	[tilespmem:$0x1C580] =	vst v63  }
0x3c: {  	s8 =	simm.s32 $0x100;
	s9 =	simm.s32 $0xE400;
	s0 =	simm.s32 @!p1 $0x8  }
0x3d: {  	[tilespmem:s9], [sflag:$0x3] =	stream.indirect.gather [spmem:s1], $0x80, s8, s16, $0xb8;
	[tilespmem:$0x1C580] =	vst v63  }
0x3e: {  	_ =	swait.ge @!p1 [sflag:s0], $0x4000  }
0x3f: {  	[sflag:s0] =	ssyncset.done @!p1 $0x0  }
0x40: {  	s10 =	simm.s32 $0x180;
	[sflag:s0] =	ssyncadd.s32 @!p1 $0xFFFFC000  }
0x41: {  	[tilespmem:s20], [sflag:$0x4] =	stream.indirect.gather [spmem:s1], $0x80, s10, s16, $0xb8;
	[tilespmem:$0x1C580] =	vst v63  }
0x42: {  	_ =	swait.ge [sflag:s21], $0x4000  }
0x43: {  	p1 =	por $0x0, $0x0;
	[sflag:s21] =	ssyncset.done $0x0  }
0x44: {  	s0 =	simm.s32 @!p1 $0x5;
	[sflag:s21] =	ssyncadd.s32 $0xFFFFC000  }
0x45: {  	[hbm4b:s11+s2] =	stream.linear.scatter [tilespmem:s14], [sflag:$0x5], $0x4000, $0x38;
	[tilespmem:$0x1C580] =	vst v63  }
0x46: {  	_ =	swait.ge @!p1 [sflag:s0], $0x4000  }
0x47: {  	s13 =	simm.s32 @!p1 $0x200;
	[sflag:s0] =	ssyncset.done @!p1 $0x0  }
0x48: {  	s19 =	simm.s32 @!p1 $0x80;
	s18 =	simm.s32 @!p1 $0x6400;
	[sflag:s0] =	ssyncadd.s32 @!p1 $0xFFFFC000  }
0x49: {  	[tilespmem:s18], [sflag:$0x1] =	stream.indirect.gather @!p1 [spmem:s1], $0x80, s13, s19, $0xb8;
	[tilespmem:$0x1C580] =	vst v63  }
0x4a: {  	_ =	swait.ge [sflag:s22], $0x4000  }
0x4b: {  	[sflag:s22] =	ssyncset.done $0x0  }
0x4c: {  	s18 =	sadd.s32 $0xFFFFF800, s12;
	s13 =	simm.s32 @p1 $0x3;
	[sflag:s22] =	ssyncadd.s32 $0xFFFFC000  }
0x4d: {  	[hbm4b:s18+s2] =	stream.linear.scatter [tilespmem:s17], [sflag:$0x6], $0x4000, $0x38;
	[tilespmem:$0x1C580] =	vst v63  }
0x4e: {  	_ =	swait.ge @p1 [sflag:s13], $0x4000  }
0x4f: {  	s30 =	simm.s32 @!p1 $0x6;
	s18 =	simm.s32 @p1 $0xE400;
	[sflag:s13] =	ssyncset.done @p1 $0x0  }
0x50: {  	s0 =	rddreg [dreg:$0x4];
	[sflag:s13] =	ssyncadd.s32 @p1 $0xFFFFC000;
	s13 =	simm.s32 @p1 $0x0  }
0x51: {  	[hbm4b:s0+s13] =	stream.linear.scatter @p1 [tilespmem:s18], [sflag:$0x7], $0x4000, $0x38;
	[tilespmem:$0x1C580] =	vst v63  }
0x52: {  	_ =	swait.ge @!p1 [sflag:s30], $0x4000  }
0x53: {  	s0 =	simm.s32 @!p1 $0x280;
	[sflag:s30] =	ssyncset.done @!p1 $0x0  }
0x54: {  	s13 =	simm.s32 @!p1 $0xA400;
	s18 =	simm.s32 @!p1 $0x3;
	[sflag:s30] =	ssyncadd.s32 @!p1 $0xFFFFC000  }
0x55: {  	[tilespmem:s13], [sflag:$0x2] =	stream.indirect.gather @!p1 [spmem:s1], $0x80, s0, s19, $0xb8;
	[tilespmem:$0x1C580] =	vst v63  }
0x56: {  	_ =	swait.ge @!p1 [sflag:s18], $0x4000  }
0x57: {  	s30 =	simm.s32 @!p1 $0x7;
	[sflag:s18] =	ssyncset.done @!p1 $0x0  }
0x58: {  	s0 =	simm.s32 @!p1 $0x0;
	s13 =	simm.s32 @!p1 $0xE400;
	[sflag:s18] =	ssyncadd.s32 @!p1 $0xFFFFC000  }
0x59: {  	[hbm4b:s12+s0] =	stream.linear.scatter @!p1 [tilespmem:s13], [sflag:$0x7], $0x4000, $0x38;
	[tilespmem:$0x1C580] =	vst v63  }
0x5a: {  	_ =	swait.ge @!p1 [sflag:s30], $0x4000  }
0x5b: {  	s31 =	sadd.s32 $0x2000, s12;
	[sflag:s30] =	ssyncset.done @!p1 $0x0  }
0x5c: {  	p2 =	por $0x0, $0x0;
	s0 =	simm.s32 @!p1 $0x300;
	[sflag:s30] =	ssyncadd.s32 @!p1 $0xFFFFC000  }
0x5d: {  	[tilespmem:s13], [sflag:$0x3] =	stream.indirect.gather @!p1 [spmem:s1], $0x80, s0, s19, $0xb8;
	[tilespmem:$0x1C580] =	vst v63  }
0x5e: {  	s18 =	simm.s32 $0x800;
	s30 =	sadd.s32 $0x2000, s3;
	s19 =	simm.s32 $0x1000  }
0x5f: {  	s0 =	sadd.s32 $0x2000, s11;
	s13 =	smov.u32 s3;
	_ =	swait.ge [sflag:s23], $0x4000  }
.LBB2_2:
0x60: {  	[sflag:s23] =	ssyncset.done $0x0  }
0x61: {  	s4 =	simm.s32 @!p2 $0x8;
	[sflag:s23] =	ssyncadd.s32 $0xFFFFC000  }
0x62: {  	[hbm4b:s13+s2] =	stream.linear.scatter [tilespmem:s20], [sflag:$0x8], $0x4000, $0x38;
	[tilespmem:$0x1C580] =	vst v63  }
0x63: {  	_ =	swait.ge @!p2 [sflag:s4], $0x4000  }
0x64: {  	s6 =	sshra.s32 s18, $0x2;
	[sflag:s4] =	ssyncset.done @!p2 $0x0  }
0x65: {  	s6 =	sadd.s32 $0x180, s6;
	[sflag:s4] =	ssyncadd.s32 @!p2 $0xFFFFC000  }
0x66: {  	[tilespmem:s20], [sflag:$0x4] =	stream.indirect.gather [spmem:s1], $0x80, s6, s16, $0xb8;
	[tilespmem:$0x1C580] =	vst v63  }
0x67: {  	_ =	swait.ge [sflag:s21], $0x4000  }
0x68: {  	p2 =	seq.s32 s18, $0x18800;
	[sflag:s21] =	ssyncset.done $0x0  }
0x69: {  	s4 =	simm.s32 @!p2 $0x5;
	[sflag:s21] =	ssyncadd.s32 $0xFFFFC000  }
0x6a: {  	[hbm4b:s0+s2] =	stream.linear.scatter [tilespmem:s14], [sflag:$0x5], $0x4000, $0x38;
	[tilespmem:$0x1C580] =	vst v63  }
0x6b: {  	_ =	swait.ge @!p2 [sflag:s4], $0x4000  }
0x6c: {  	s6 =	sshra.s32 @!p2 s18, $0x2;
	s9 =	simm.s32 @!p2 $0x80;
	[sflag:s4] =	ssyncset.done @!p2 $0x0  }
0x6d: {  	s10 =	simm.s32 @!p2 $0x6400;
	s7 =	sadd.s32 @!p2 $0x200, s6;
	[sflag:s4] =	ssyncadd.s32 @!p2 $0xFFFFC000  }
0x6e: {  	[tilespmem:s10], [sflag:$0x1] =	stream.indirect.gather @!p2 [spmem:s1], $0x80, s7, s9, $0xb8;
	[tilespmem:$0x1C580] =	vst v63  }
0x6f: {  	s5 =	smov.u32 s19;
	_ =	swait.ge [sflag:s22], $0x4000  }
0x70: {  	s8 =	sadd.s32 @!p2 $0x280, s6;
	s4 =	sadd.s32 @!p2 $0x300, s6;
	[sflag:s22] =	ssyncset.done $0x0  }
0x71: {  	s6 =	simm.s32 @p2 $0x3;
	s10 =	sadd.s32 $0xFFFFF800, s31;
	[sflag:s22] =	ssyncadd.s32 $0xFFFFC000  }
0x72: {  	[hbm4b:s10+s2] =	stream.linear.scatter [tilespmem:s17], [sflag:$0x6], $0x4000, $0x38;
	[tilespmem:$0x1C580] =	vst v63  }
0x73: {  	s18 =	smov.u32 s5;
	_ =	swait.ge @p2 [sflag:s6], $0x4000  }
0x74: {  	s7 =	simm.s32 @p2 $0xE400;
	s10 =	simm.s32 @!p2 $0x6;
	[sflag:s6] =	ssyncset.done @p2 $0x0  }
0x75: {  	s5 =	rddreg [dreg:$0x4];
	[sflag:s6] =	ssyncadd.s32 @p2 $0xFFFFC000;
	s6 =	simm.s32 @p2 $0x0  }
0x76: {  	[hbm4b:s5+s6] =	stream.linear.scatter @p2 [tilespmem:s7], [sflag:$0x7], $0x4000, $0x38;
	[tilespmem:$0x1C580] =	vst v63  }
0x77: {  	_ =	swait.ge @!p2 [sflag:s10], $0x4000  }
0x78: {  	[sflag:s10] =	ssyncset.done @!p2 $0x0  }
0x79: {  	s5 =	simm.s32 @!p2 $0xA400;
	s6 =	simm.s32 @!p2 $0x3;
	[sflag:s10] =	ssyncadd.s32 @!p2 $0xFFFFC000  }
0x7a: {  	[tilespmem:s5], [sflag:$0x2] =	stream.indirect.gather @!p2 [spmem:s1], $0x80, s8, s9, $0xb8;
	[tilespmem:$0x1C580] =	vst v63  }
0x7b: {  	s19 =	sadd.s32 $0x800, s19;
	_ =	swait.ge @!p2 [sflag:s6], $0x4000  }
0x7c: {  	p1 =	sne.s32 s19, $0x19000;
	s7 =	simm.s32 @!p2 $0xE400;
	[sflag:s6] =	ssyncset.done @!p2 $0x0  }
0x7d: {  	s5 =	simm.s32 @!p2 $0x0;
	[sflag:s6] =	ssyncadd.s32 @!p2 $0xFFFFC000;
	s6 =	simm.s32 @!p2 $0x7  }
0x7e: {  	[hbm4b:s31+s5] =	stream.linear.scatter @!p2 [tilespmem:s7], [sflag:$0x7], $0x4000, $0x38;
	[tilespmem:$0x1C580] =	vst v63  }
.Ltmp0:
0x7f: {  	_ =	swait.ge @!p2 [sflag:s6], $0x4000;
	(pc) =	sbr.rel @p1 .LBB2_2-.Ltmp0, $4  }
0x80: {  	s13 =	smov.u32 s30;
	[sflag:s6] =	ssyncset.done @!p2 $0x0  }
0x81: {  	s30 =	sadd.s32 $0x2000, s30;
	s0 =	sadd.s32 $0x2000, s0;
	[sflag:s6] =	ssyncadd.s32 @!p2 $0xFFFFC000  }
0x82: {  	[tilespmem:s7], [sflag:$0x3] =	stream.indirect.gather @!p2 [spmem:s1], $0x80, s4, s9, $0xb8;
	[tilespmem:$0x1C580] =	vst v63  }
0x83: {  	s31 =	sadd.s32 $0x2000, s31;
	p2 =	seq.s32 s18, $0x0;
	_ =	swait.ge [sflag:s23], $0x4000  }
0x84: {  	[sflag:s23] =	ssyncset.done $0x0  }
0x85: {  	s4 =	simm.s32 @!p2 $0x8;
	[sflag:s23] =	ssyncadd.s32 $0xFFFFC000  }
0x86: {  	[hbm4b:s13+s2] =	stream.linear.scatter [tilespmem:s20], [sflag:$0x8], $0x4000, $0x38;
	[tilespmem:$0x1C580] =	vst v63  }
0x87: {  	_ =	swait.ge @!p2 [sflag:s4], $0x4000  }
0x88: {  	s5 =	sshra.s32 s18, $0x2;
	[sflag:s4] =	ssyncset.done @!p2 $0x0  }
0x89: {  	s5 =	sadd.s32 $0x180, s5;
	[sflag:s4] =	ssyncadd.s32 @!p2 $0xFFFFC000  }
0x8a: {  	[tilespmem:s20], [sflag:$0x4] =	stream.indirect.gather [spmem:s1], $0x80, s5, s16, $0xb8;
	[tilespmem:$0x1C580] =	vst v63  }
0x8b: {  	_ =	swait.ge [sflag:s21], $0x4000  }
0x8c: {  	p1 =	seq.s32 s18, $0x18800;
	[sflag:s21] =	ssyncset.done $0x0  }
0x8d: {  	s4 =	simm.s32 @!p1 $0x5;
	[sflag:s21] =	ssyncadd.s32 $0xFFFFC000  }
0x8e: {  	[hbm4b:s0+s2] =	stream.linear.scatter [tilespmem:s14], [sflag:$0x5], $0x4000, $0x38;
	[tilespmem:$0x1C580] =	vst v63  }
0x8f: {  	_ =	swait.ge @!p1 [sflag:s4], $0x4000  }
0x90: {  	s6 =	simm.s32 @!p1 $0x80;
	s0 =	sshra.s32 @!p1 s18, $0x2;
	[sflag:s4] =	ssyncset.done @!p1 $0x0  }
0x91: {  	s7 =	simm.s32 @!p1 $0x6400;
	s5 =	sadd.s32 @!p1 $0x200, s0;
	[sflag:s4] =	ssyncadd.s32 @!p1 $0xFFFFC000  }
0x92: {  	[tilespmem:s7], [sflag:$0x1] =	stream.indirect.gather @!p1 [spmem:s1], $0x80, s5, s6, $0xb8;
	[tilespmem:$0x1C580] =	vst v63  }
0x93: {  	_ =	swait.ge [sflag:s22], $0x4000  }
0x94: {  	[sflag:s22] =	ssyncset.done $0x0  }
0x95: {  	s19 =	sadd.s32 $0xFFFFF800, s31;
	s5 =	simm.s32 @p1 $0x3;
	[sflag:s22] =	ssyncadd.s32 $0xFFFFC000  }
0x96: {  	[hbm4b:s19+s2] =	stream.linear.scatter [tilespmem:s17], [sflag:$0x6], $0x4000, $0x38;
	[tilespmem:$0x1C580] =	vst v63  }
0x97: {  	_ =	swait.ge @p1 [sflag:s5], $0x4000  }
0x98: {  	s8 =	simm.s32 @!p1 $0x6;
	s7 =	simm.s32 @p1 $0xE400;
	[sflag:s5] =	ssyncset.done @p1 $0x0  }
0x99: {  	s4 =	rddreg [dreg:$0x4];
	[sflag:s5] =	ssyncadd.s32 @p1 $0xFFFFC000;
	s5 =	simm.s32 @p1 $0x0  }
0x9a: {  	[hbm4b:s4+s5] =	stream.linear.scatter @p1 [tilespmem:s7], [sflag:$0x7], $0x4000, $0x38;
	[tilespmem:$0x1C580] =	vst v63  }
0x9b: {  	_ =	swait.ge @!p1 [sflag:s8], $0x4000  }
0x9c: {  	s4 =	sadd.s32 @!p1 $0x280, s0;
	[sflag:s8] =	ssyncset.done @!p1 $0x0  }
0x9d: {  	s5 =	simm.s32 @!p1 $0xA400;
	s7 =	simm.s32 @!p1 $0x3;
	[sflag:s8] =	ssyncadd.s32 @!p1 $0xFFFFC000  }
0x9e: {  	[tilespmem:s5], [sflag:$0x2] =	stream.indirect.gather @!p1 [spmem:s1], $0x80, s4, s6, $0xb8;
	[tilespmem:$0x1C580] =	vst v63  }
0x9f: {  	_ =	swait.ge @!p1 [sflag:s7], $0x4000  }
0xa0: {  	s4 =	simm.s32 @!p1 $0x0;
	[sflag:s7] =	ssyncset.done @!p1 $0x0  }
0xa1: {  	s5 =	simm.s32 @!p1 $0xE400;
	[sflag:s7] =	ssyncadd.s32 @!p1 $0xFFFFC000;
	s7 =	simm.s32 @!p1 $0x7  }
0xa2: {  	[hbm4b:s31+s4] =	stream.linear.scatter @!p1 [tilespmem:s5], [sflag:$0x7], $0x4000, $0x38;
	[tilespmem:$0x1C580] =	vst v63  }
0xa3: {  	_ =	swait.ge @!p1 [sflag:s7], $0x4000  }
0xa4: {  	[sflag:s7] =	ssyncset.done @!p1 $0x0  }
0xa5: {  	s0 =	sadd.s32 @!p1 $0x300, s0;
	[sflag:s7] =	ssyncadd.s32 @!p1 $0xFFFFC000  }
0xa6: {  	[tilespmem:s5], [sflag:$0x3] =	stream.indirect.gather @!p1 [spmem:s1], $0x80, s0, s6, $0xb8;
	[tilespmem:$0x1C580] =	vst v63  }
0xa7: {  	_ =	swait.ge [sflag:s23], $0x4000  }
0xa8: {  	[sflag:s23] =	ssyncset.done $0x0  }
0xa9: {  	[sflag:s23] =	ssyncadd.s32 $0xFFFFC000  }
0xaa: {  	[hbm4b:s30+s2] =	stream.linear.scatter [tilespmem:s20], [sflag:$0x8], $0x4000, $0x38;
	[tilespmem:$0x1C580] =	vst v63  }
0xab: {  	_ =	swait.ge [sflag:s24], $0x4000  }
0xac: {  	[sflag:s24] =	ssyncset.done $0x0  }
0xad: {  	[sflag:s24] =	ssyncadd.s32 $0xFFFFC000  }
0xae: {  	_ =	swait.ge [sflag:s25], $0x4000  }
0xaf: {  	[sflag:s25] =	ssyncset.done $0x0  }
0xb0: {  	[sflag:s25] =	ssyncadd.s32 $0xFFFFC000  }
0xb1: {  	_ =	swait.ge [sflag:s26], $0x4000  }
0xb2: {  	[sflag:s26] =	ssyncset.done $0x0  }
0xb3: {  	[sflag:s26] =	ssyncadd.s32 $0xFFFFC000  }
0xb4: {  	_ =	swait.ge [sflag:s28], $0x4000  }
0xb5: {  	s29 =	sadd.s32 $0x1, s29;
	s31 =	rddreg [dreg:$0xc]  }
0xb6: {  	p1 =	sne.s32 s29, s31  }
.Ltmp1:
0xb7: {  	_ = 	snop;
	(pc) =	sbr.rel @p1 .LBB2_1-.Ltmp1, $3  }
0xb8: {  	_ =	sdelay $0x1  }
0xb9: {  	[sflag:s28] =	ssyncset.done $0x0  }
0xba: {  	[sflag:s28] =	ssyncadd.s32 $0xFFFFC000  }
0xbb: {  	_ =	sfence.sel $0x180000  }
0xbc: {  	[bflag:$0x0] =	sbarrier.arrive $0xFFFF  }
0xbd: {  	_ =	strace $0x90000047  }
0xbe: {  	[bflag:$0x2] =	sbarrier.arrive $0xFFFF  }
0xbf: {  	s0 =	rddreg [dreg:$0x3]  }
0xc0: {  	s0 =	sadd.s32 @!p0 $0x100000, s0  }
0xc1: {  	[sflag:s0] =	ssyncadd.tile.s32 @!p0 $0x1;
	_ =	shalt  }
.Lfunc_end2:
_tile_overlayer_lowered:
.L_overlay_start_2:
0xc2: {  	(tag) =	ssettag $0x2  }
0xc3: {  	s0 =	rddreg [dreg:$0x0];
	s2 =	stileid.u32  }
0xc4: {  	s1 =	rddreg [dreg:$0x1];
	p0 =	sne.s32 s2, $0x0  }
0xc5: {  	s3 =	rddreg [dreg:$0x2];
	[bflag:$0x3] =	sbarrier.arrive $0xFFFF;
	s2 =	simm.s32 @!p0 $0x1C09  }
0xc6: {  	[timem:s3], [sflag:s2] =	dma.local @!p0 [hbm:s0], s1  }
0xc7: {  	s0 =	simm.s32 @!p0 $0x9  }
0xc8: {  	_ =	swait.ge @!p0 [sflag:s0], s1  }
0xc9: {  	s1 =	ssub.s32 @!p0 $0x0, s1;
	[sflag:s0] =	ssyncset.done @!p0 $0x0  }
0xca: {  	[sflag:s0] =	ssyncadd.s32 @!p0 s1  }
0xcb: {  	[bflag:$0x3] =	sbarrier.arrive $0xFFFF  }
0xcc: {  	_ =	shalt  }

</sc_bundles>
